<compile_context>
chip_gen: v7x
topology: tpu7x:2x2x1
jax: 0.10.2.dev20260603
libtpu: 0.0.44.dev20260713+nightly
codegen_flags: <defaults>
</compile_context>

<pallas_src>
import functools

import jax
import jax.numpy as jnp
from jax import lax
from jax.experimental import pallas as pl
from jax.experimental.pallas import tpu as pltpu
from jax.experimental.pallas import tpu_sc as plsc

_E = 8
_K = 2
_D = 768
_N = 32768
_BLK = 4096

_NW = 32
_CHUNK = _N // _NW
_L = 16
_ITERS = _CHUNK // _L


def _matmul_block(x_ref, w_ref, out_ref):
    logits = jax.lax.dot_general(
        w_ref[...], x_ref[...], (((1,), (1,)), ((), ())),
        preferred_element_type=jnp.float32,
    )
    out_ref[...] = logits


def _tc_logits(hidden_states, W):
    return pl.pallas_call(
        _matmul_block,
        grid=(_N // _BLK,),
        in_specs=[
            pl.BlockSpec((_BLK, _D), lambda i: (i, 0)),
            pl.BlockSpec((_E, _D), lambda i: (0, 0)),
        ],
        out_specs=pl.BlockSpec((_E, _BLK), lambda i: (0, i)),
        out_shape=jax.ShapeDtypeStruct((_E, _N), jnp.float32),
    )(hidden_states, W)


_mesh = plsc.VectorSubcoreMesh(core_axis_name="c", subcore_axis_name="s")


@functools.partial(
    pl.kernel,
    mesh=_mesh,
    out_type=[
        jax.ShapeDtypeStruct((2, _N), jnp.float32),
        jax.ShapeDtypeStruct((2, _N), jnp.int32),
        jax.ShapeDtypeStruct((_NW, 2, _E, _L), jnp.float32),
    ],
    scratch_types=[
        pltpu.VMEM((_E, _CHUNK), jnp.float32),
        pltpu.VMEM((2, _CHUNK), jnp.float32),
        pltpu.VMEM((2, _CHUNK), jnp.int32),
        pltpu.VMEM((2, _E, _L), jnp.float32),
    ],
)
def _sc_route(logits_hbm, wts_hbm, exp_hbm, part_hbm,
              log_v, wts_v, exp_v, part_v):
    wid = lax.axis_index("s") * 2 + lax.axis_index("c")
    base = wid * _CHUNK
    pltpu.sync_copy(logits_hbm.at[:, pl.ds(base, _CHUNK)], log_v)

    zero = jnp.zeros((_L,), jnp.float32)
    neg_inf = jnp.full((_L,), -jnp.inf, jnp.float32)

    def body(j, carry):
        psums = carry[:_E]
        cnts = carry[_E:]
        s = pl.ds(j * _L, _L)
        l = [log_v[e, s] for e in range(_E)]

        m1 = l[0]
        for e in range(1, _E):
            m1 = jnp.maximum(m1, l[e])
        a1 = jnp.full((_L,), _E - 1, jnp.int32)
        for e in range(_E - 2, -1, -1):
            a1 = jnp.where(l[e] == m1, e, a1)

        m2 = neg_inf
        for e in range(_E):
            m2 = jnp.maximum(m2, jnp.where(a1 == e, neg_inf, l[e]))
        a2 = jnp.full((_L,), _E - 1, jnp.int32)
        for e in range(_E - 2, -1, -1):
            keep = jnp.where(a1 == e, neg_inf, l[e])
            a2 = jnp.where(keep == m2, e, a2)

        g = jnp.exp(m2 - m1)
        rden = 1.0 / (1.0 + g)
        wts_v[0, s] = rden
        wts_v[1, s] = g * rden
        exp_v[0, s] = a1
        exp_v[1, s] = a2

        p = [jnp.exp(l[e] - m1) for e in range(_E)]
        tot = p[0]
        for e in range(1, _E):
            tot = tot + p[e]
        rtot = 1.0 / tot
        new_psums = tuple(psums[e] + p[e] * rtot for e in range(_E))
        new_cnts = tuple(
            cnts[e]
            + jnp.where(a1 == e, 1.0, 0.0)
            + jnp.where(a2 == e, 1.0, 0.0)
            for e in range(_E)
        )
        return new_psums + new_cnts

    init = tuple(zero for _ in range(2 * _E))
    res = lax.fori_loop(0, _ITERS, body, init)
    for e in range(_E):
        part_v[0, e] = res[e]
        part_v[1, e] = res[_E + e]

    pltpu.sync_copy(wts_v, wts_hbm.at[:, pl.ds(base, _CHUNK)])
    pltpu.sync_copy(exp_v, exp_hbm.at[:, pl.ds(base, _CHUNK)])
    pltpu.sync_copy(part_v, part_hbm.at[wid])


@jax.jit
def kernel(hidden_states, W):
    logits = _tc_logits(hidden_states, W)
    wts_t, exp_t, parts = _sc_route(logits)
    wts = wts_t.T
    exps = exp_t.T
    psum = parts[:, 0].sum(axis=(0, 2))
    cnt = parts[:, 1].sum(axis=(0, 2))
    aux = _E * jnp.sum((cnt / (_N * _K)) * (psum / _N))
    return wts, exps, aux

# --- scband reference (transcript-rebuilt; emitter-appended) ---
"""Pipeline reference for scband-router-17875653886563 (READ-ONLY COPY).

The authoritative reference and input builder live on the scoring server;
editing this copy changes nothing except your own understanding.
"""

import jax, jax.numpy as jnp
import numpy as np

NUM_EXPERTS = 8
TOP_K = 2
EMBED_DIM = 768
N_TOKENS = 32768


def setup_inputs(seed: int = 0) -> dict:
    key = jax.random.key(seed)
    k1, k2 = jax.random.split(key)
    hidden_states = jax.random.normal(k1, (N_TOKENS, EMBED_DIM), dtype=jnp.float32)
    # gate weight, torch nn.Linear convention: [out_features, in_features]
    W = jax.random.normal(k2, (NUM_EXPERTS, EMBED_DIM), dtype=jnp.float32) * 0.02
    return {"hidden_states": hidden_states, "W": W}


def reference(hidden_states, W):
    # router_logits = self.gate(hidden_states)
    router_logits = hidden_states @ W.T  # [N, E]
    # topk + softmax over selected logits
    routing_weights, selected_experts = jax.lax.top_k(router_logits, TOP_K)
    routing_weights = jax.nn.softmax(routing_weights, axis=-1)
    # aux load-balancing loss
    num_tokens = router_logits.shape[0]
    expert_mask = jax.nn.one_hot(selected_experts, NUM_EXPERTS, dtype=jnp.float32)  # [N, K, E]
    tokens_per_expert = expert_mask.sum(axis=(0, 1))  # [E]
    f = tokens_per_expert / (num_tokens * TOP_K)
    routing_probs = jax.nn.softmax(router_logits, axis=-1)
    P = routing_probs.mean(axis=0)
    aux_loss = NUM_EXPERTS * jnp.sum(f * P)
    return (routing_weights, selected_experts, aux_loss)

if __name__ == "__main__":
    import jax
    _d = setup_inputs()
    print(jax.jit(kernel)(*tuple(_d.values())))

</pallas_src>

<mosaic_0001>
#map = affine_map<(d0, d1) -> (0, 0)>
#map1 = affine_map<(d0, d1) -> (0, 0, 0, 0)>
module attributes {stable_mosaic.version = 14 : i64} {
  func.func @_sc_route(%arg0: i32, %arg1: i32, %arg2: memref<8x32768xf32, #tpu.memory_space<hbm>>, %arg3: memref<2x32768xf32, #tpu.memory_space<hbm>>, %arg4: memref<2x32768xi32, #tpu.memory_space<hbm>>, %arg5: memref<32x2x8x16xf32, #tpu.memory_space<hbm>>, %arg6: memref<8x1024xf32, #tpu.memory_space<vmem>>, %arg7: memref<2x1024xf32, #tpu.memory_space<vmem>>, %arg8: memref<2x1024xi32, #tpu.memory_space<vmem>>, %arg9: memref<2x8x16xf32, #tpu.memory_space<vmem>>) attributes {dimension_semantics = [#tpu.dimension_semantics<core_parallel>, #tpu.dimension_semantics<subcore_parallel>], iteration_bounds = array<i64: 2, 16>, scalar_prefetch = 0 : i64, scratch_operands = 4 : i64, tpu.core_type = #tpu.core_type<sc_vector_subcore>, window_params = [{transform_indices = #map}, {transform_indices = #map}, {transform_indices = #map}, {transform_indices = #map1}]} {
    %mul3A = arith.constant 2 : i32
    %mul3A_0 = arith.muli %arg1, %mul3A : i32
    %add3A = arith.addi %mul3A_0, %arg0 : i32
    %mul3A_1 = arith.constant 1024 : i32
    %mul3A_2 = arith.muli %add3A, %mul3A_1 : i32
    "tpu.region"() ({
      %run_scoped3A = tpu.sem_alloc : memref<!tpu.dma_semaphore, #tpu.memory_space<semaphore_mem>>
      %dma_start3A = arith.constant 0 : i32
      %dma_start3A_138 = tpu.memref_slice %arg2[%dma_start3A, %mul3A_2] : memref<8x32768xf32, #tpu.memory_space<hbm>> -> memref<8x1024xf32, #tpu.memory_space<hbm>>
      %dma_start3A_139 = arith.constant 0 : i32
      %dma_start3A_140 = tpu.memref_slice %arg2[%dma_start3A_139, %mul3A_2] : memref<8x32768xf32, #tpu.memory_space<hbm>> -> memref<8x1024xf32, #tpu.memory_space<hbm>>
      tpu.enqueue_dma source(%dma_start3A_140 : memref<8x1024xf32, #tpu.memory_space<hbm>>) target(%arg6 : memref<8x1024xf32, #tpu.memory_space<vmem>>) target_semaphore(%run_scoped3A : memref<!tpu.dma_semaphore, #tpu.memory_space<semaphore_mem>>)
      %dma_wait3A = arith.constant 0 : i32
      %dma_wait3A_141 = tpu.memref_slice %arg2[%dma_wait3A, %mul3A_2] : memref<8x32768xf32, #tpu.memory_space<hbm>> -> memref<8x1024xf32, #tpu.memory_space<hbm>>
      %dma_wait3A_142 = arith.constant 0 : i32
      %dma_wait3A_143 = tpu.memref_slice %arg2[%dma_wait3A_142, %mul3A_2] : memref<8x32768xf32, #tpu.memory_space<hbm>> -> memref<8x1024xf32, #tpu.memory_space<hbm>>
      tpu.wait_dma2 semaphore(%run_scoped3A : memref<!tpu.dma_semaphore, #tpu.memory_space<semaphore_mem>>) src(%dma_wait3A_143 : memref<8x1024xf32, #tpu.memory_space<hbm>>) dst(%arg6 : memref<8x1024xf32, #tpu.memory_space<vmem>>)
      tpu.yield
    }) : () -> ()
    %broadcast_in_dim3A = arith.constant 0.000000e+00 : f32
    %broadcast_in_dim3A_3 = vector.broadcast %broadcast_in_dim3A : f32 to vector<16xf32>
    %broadcast_in_dim3A_4 = arith.constant 0xFF800000 : f32
    %broadcast_in_dim3A_5 = vector.broadcast %broadcast_in_dim3A_4 : f32 to vector<16xf32>
    %scan3A = arith.constant 0 : i32
    %scan3A_6 = arith.constant 64 : i32
    %scan3A_7 = arith.addi %scan3A, %scan3A_6 : i32
    %scan3A_8 = arith.constant 1 : i32
    %scan3A_9:16 = scf.for %scan3A_138 = %scan3A to %scan3A_7 step %scan3A_8 iter_args(%scan3A_139 = %broadcast_in_dim3A_3, %scan3A_140 = %broadcast_in_dim3A_3, %scan3A_141 = %broadcast_in_dim3A_3, %scan3A_142 = %broadcast_in_dim3A_3, %scan3A_143 = %broadcast_in_dim3A_3, %scan3A_144 = %broadcast_in_dim3A_3, %scan3A_145 = %broadcast_in_dim3A_3, %scan3A_146 = %broadcast_in_dim3A_3, %scan3A_147 = %broadcast_in_dim3A_3, %scan3A_148 = %broadcast_in_dim3A_3, %scan3A_149 = %broadcast_in_dim3A_3, %scan3A_150 = %broadcast_in_dim3A_3, %scan3A_151 = %broadcast_in_dim3A_3, %scan3A_152 = %broadcast_in_dim3A_3, %scan3A_153 = %broadcast_in_dim3A_3, %scan3A_154 = %broadcast_in_dim3A_3) -> (vector<16xf32>, vector<16xf32>, vector<16xf32>, vector<16xf32>, vector<16xf32>, vector<16xf32>, vector<16xf32>, vector<16xf32>, vector<16xf32>, vector<16xf32>, vector<16xf32>, vector<16xf32>, vector<16xf32>, vector<16xf32>, vector<16xf32>, vector<16xf32>)  : i32 {
      %mul3A_155 = arith.constant 16 : i32
      %mul3A_156 = arith.muli %scan3A_138, %mul3A_155 : i32
      %get3A = arith.constant 0 : i32
      %get3A_157 = arith.index_cast %get3A : i32 to index
      %get3A_158 = arith.index_cast %mul3A_156 : i32 to index
      %get3A_159 = tpu.vector_load %arg6[%get3A_157, %get3A_158] {strides = array<i32>} : memref<8x1024xf32, #tpu.memory_space<vmem>>, vector<1x16xf32>,
      %get3A_160 = vector.shape_cast %get3A_159 : vector<1x16xf32> to vector<16xf32>
      %get3A_161 = arith.constant 1 : i32
      %get3A_162 = arith.index_cast %get3A_161 : i32 to index
      %get3A_163 = arith.index_cast %mul3A_156 : i32 to index
      %get3A_164 = tpu.vector_load %arg6[%get3A_162, %get3A_163] {strides = array<i32>} : memref<8x1024xf32, #tpu.memory_space<vmem>>, vector<1x16xf32>,
      %get3A_165 = vector.shape_cast %get3A_164 : vector<1x16xf32> to vector<16xf32>
      %get3A_166 = arith.constant 2 : i32
      %get3A_167 = arith.index_cast %get3A_166 : i32 to index
      %get3A_168 = arith.index_cast %mul3A_156 : i32 to index
      %get3A_169 = tpu.vector_load %arg6[%get3A_167, %get3A_168] {strides = array<i32>} : memref<8x1024xf32, #tpu.memory_space<vmem>>, vector<1x16xf32>,
      %get3A_170 = vector.shape_cast %get3A_169 : vector<1x16xf32> to vector<16xf32>
      %get3A_171 = arith.constant 3 : i32
      %get3A_172 = arith.index_cast %get3A_171 : i32 to index
      %get3A_173 = arith.index_cast %mul3A_156 : i32 to index
      %get3A_174 = tpu.vector_load %arg6[%get3A_172, %get3A_173] {strides = array<i32>} : memref<8x1024xf32, #tpu.memory_space<vmem>>, vector<1x16xf32>,
      %get3A_175 = vector.shape_cast %get3A_174 : vector<1x16xf32> to vector<16xf32>
      %get3A_176 = arith.constant 4 : i32
      %get3A_177 = arith.index_cast %get3A_176 : i32 to index
      %get3A_178 = arith.index_cast %mul3A_156 : i32 to index
      %get3A_179 = tpu.vector_load %arg6[%get3A_177, %get3A_178] {strides = array<i32>} : memref<8x1024xf32, #tpu.memory_space<vmem>>, vector<1x16xf32>,
      %get3A_180 = vector.shape_cast %get3A_179 : vector<1x16xf32> to vector<16xf32>
      %get3A_181 = arith.constant 5 : i32
      %get3A_182 = arith.index_cast %get3A_181 : i32 to index
      %get3A_183 = arith.index_cast %mul3A_156 : i32 to index
      %get3A_184 = tpu.vector_load %arg6[%get3A_182, %get3A_183] {strides = array<i32>} : memref<8x1024xf32, #tpu.memory_space<vmem>>, vector<1x16xf32>,
      %get3A_185 = vector.shape_cast %get3A_184 : vector<1x16xf32> to vector<16xf32>
      %get3A_186 = arith.constant 6 : i32
      %get3A_187 = arith.index_cast %get3A_186 : i32 to index
      %get3A_188 = arith.index_cast %mul3A_156 : i32 to index
      %get3A_189 = tpu.vector_load %arg6[%get3A_187, %get3A_188] {strides = array<i32>} : memref<8x1024xf32, #tpu.memory_space<vmem>>, vector<1x16xf32>,
      %get3A_190 = vector.shape_cast %get3A_189 : vector<1x16xf32> to vector<16xf32>
      %get3A_191 = arith.constant 7 : i32
      %get3A_192 = arith.index_cast %get3A_191 : i32 to index
      %get3A_193 = arith.index_cast %mul3A_156 : i32 to index
      %get3A_194 = tpu.vector_load %arg6[%get3A_192, %get3A_193] {strides = array<i32>} : memref<8x1024xf32, #tpu.memory_space<vmem>>, vector<1x16xf32>,
      %get3A_195 = vector.shape_cast %get3A_194 : vector<1x16xf32> to vector<16xf32>
      %max3A = arith.maximumf %get3A_160, %get3A_165 : vector<16xf32>
      %max3A_196 = arith.maximumf %max3A, %get3A_170 : vector<16xf32>
      %max3A_197 = arith.maximumf %max3A_196, %get3A_175 : vector<16xf32>
      %max3A_198 = arith.maximumf %max3A_197, %get3A_180 : vector<16xf32>
      %max3A_199 = arith.maximumf %max3A_198, %get3A_185 : vector<16xf32>
      %max3A_200 = arith.maximumf %max3A_199, %get3A_190 : vector<16xf32>
      %max3A_201 = arith.maximumf %max3A_200, %get3A_195 : vector<16xf32>
      %broadcast_in_dim3A_202 = arith.constant 7 : i32
      %broadcast_in_dim3A_203 = vector.broadcast %broadcast_in_dim3A_202 : i32 to vector<16xi32>
      %eq3A = arith.cmpf oeq, %get3A_190, %max3A_201 : vector<16xf32>
      %jit3A = arith.constant 6 : i32
      %broadcast_in_dim3A_204 = vector.broadcast %jit3A : i32 to vector<16xi32>
      %select_n3A = arith.select %eq3A, %broadcast_in_dim3A_204, %broadcast_in_dim3A_203 : vector<16xi1>, vector<16xi32>
      %eq3A_205 = arith.cmpf oeq, %get3A_185, %max3A_201 : vector<16xf32>
      %jit3A_206 = arith.constant 5 : i32
      %broadcast_in_dim3A_207 = vector.broadcast %jit3A_206 : i32 to vector<16xi32>
      %select_n3A_208 = arith.select %eq3A_205, %broadcast_in_dim3A_207, %select_n3A : vector<16xi1>, vector<16xi32>
      %eq3A_209 = arith.cmpf oeq, %get3A_180, %max3A_201 : vector<16xf32>
      %jit3A_210 = arith.constant 4 : i32
      %broadcast_in_dim3A_211 = vector.broadcast %jit3A_210 : i32 to vector<16xi32>
      %select_n3A_212 = arith.select %eq3A_209, %broadcast_in_dim3A_211, %select_n3A_208 : vector<16xi1>, vector<16xi32>
      %eq3A_213 = arith.cmpf oeq, %get3A_175, %max3A_201 : vector<16xf32>
      %jit3A_214 = arith.constant 3 : i32
      %broadcast_in_dim3A_215 = vector.broadcast %jit3A_214 : i32 to vector<16xi32>
      %select_n3A_216 = arith.select %eq3A_213, %broadcast_in_dim3A_215, %select_n3A_212 : vector<16xi1>, vector<16xi32>
      %eq3A_217 = arith.cmpf oeq, %get3A_170, %max3A_201 : vector<16xf32>
      %jit3A_218 = arith.constant 2 : i32
      %broadcast_in_dim3A_219 = vector.broadcast %jit3A_218 : i32 to vector<16xi32>
      %select_n3A_220 = arith.select %eq3A_217, %broadcast_in_dim3A_219, %select_n3A_216 : vector<16xi1>, vector<16xi32>
      %eq3A_221 = arith.cmpf oeq, %get3A_165, %max3A_201 : vector<16xf32>
      %jit3A_222 = arith.constant 1 : i32
      %broadcast_in_dim3A_223 = vector.broadcast %jit3A_222 : i32 to vector<16xi32>
      %select_n3A_224 = arith.select %eq3A_221, %broadcast_in_dim3A_223, %select_n3A_220 : vector<16xi1>, vector<16xi32>
      %eq3A_225 = arith.cmpf oeq, %get3A_160, %max3A_201 : vector<16xf32>
      %jit3A_226 = arith.constant 0 : i32
      %broadcast_in_dim3A_227 = vector.broadcast %jit3A_226 : i32 to vector<16xi32>
      %select_n3A_228 = arith.select %eq3A_225, %broadcast_in_dim3A_227, %select_n3A_224 : vector<16xi1>, vector<16xi32>
      %eq3A_229 = arith.constant 0 : i32
      %eq3A_230 = vector.broadcast %eq3A_229 : i32 to vector<16xi32>
      %eq3A_231 = arith.cmpi eq, %select_n3A_228, %eq3A_230 : vector<16xi32>
      %select_n3A_232 = arith.select %eq3A_231, %broadcast_in_dim3A_5, %get3A_160 : vector<16xi1>, vector<16xf32>
      %max3A_233 = arith.maximumf %broadcast_in_dim3A_5, %select_n3A_232 : vector<16xf32>
      %eq3A_234 = arith.constant 1 : i32
      %eq3A_235 = vector.broadcast %eq3A_234 : i32 to vector<16xi32>
      %eq3A_236 = arith.cmpi eq, %select_n3A_228, %eq3A_235 : vector<16xi32>
      %select_n3A_237 = arith.select %eq3A_236, %broadcast_in_dim3A_5, %get3A_165 : vector<16xi1>, vector<16xf32>
      %max3A_238 = arith.maximumf %max3A_233, %select_n3A_237 : vector<16xf32>
      %eq3A_239 = arith.constant 2 : i32
      %eq3A_240 = vector.broadcast %eq3A_239 : i32 to vector<16xi32>
      %eq3A_241 = arith.cmpi eq, %select_n3A_228, %eq3A_240 : vector<16xi32>
      %select_n3A_242 = arith.select %eq3A_241, %broadcast_in_dim3A_5, %get3A_170 : vector<16xi1>, vector<16xf32>
      %max3A_243 = arith.maximumf %max3A_238, %select_n3A_242 : vector<16xf32>
      %eq3A_244 = arith.constant 3 : i32
      %eq3A_245 = vector.broadcast %eq3A_244 : i32 to vector<16xi32>
      %eq3A_246 = arith.cmpi eq, %select_n3A_228, %eq3A_245 : vector<16xi32>
      %select_n3A_247 = arith.select %eq3A_246, %broadcast_in_dim3A_5, %get3A_175 : vector<16xi1>, vector<16xf32>
      %max3A_248 = arith.maximumf %max3A_243, %select_n3A_247 : vector<16xf32>
      %eq3A_249 = arith.constant 4 : i32
      %eq3A_250 = vector.broadcast %eq3A_249 : i32 to vector<16xi32>
      %eq3A_251 = arith.cmpi eq, %select_n3A_228, %eq3A_250 : vector<16xi32>
      %select_n3A_252 = arith.select %eq3A_251, %broadcast_in_dim3A_5, %get3A_180 : vector<16xi1>, vector<16xf32>
      %max3A_253 = arith.maximumf %max3A_248, %select_n3A_252 : vector<16xf32>
      %eq3A_254 = arith.constant 5 : i32
      %eq3A_255 = vector.broadcast %eq3A_254 : i32 to vector<16xi32>
      %eq3A_256 = arith.cmpi eq, %select_n3A_228, %eq3A_255 : vector<16xi32>
      %select_n3A_257 = arith.select %eq3A_256, %broadcast_in_dim3A_5, %get3A_185 : vector<16xi1>, vector<16xf32>
      %max3A_258 = arith.maximumf %max3A_253, %select_n3A_257 : vector<16xf32>
      %eq3A_259 = arith.constant 6 : i32
      %eq3A_260 = vector.broadcast %eq3A_259 : i32 to vector<16xi32>
      %eq3A_261 = arith.cmpi eq, %select_n3A_228, %eq3A_260 : vector<16xi32>
      %select_n3A_262 = arith.select %eq3A_261, %broadcast_in_dim3A_5, %get3A_190 : vector<16xi1>, vector<16xf32>
      %max3A_263 = arith.maximumf %max3A_258, %select_n3A_262 : vector<16xf32>
      %eq3A_264 = arith.constant 7 : i32
      %eq3A_265 = vector.broadcast %eq3A_264 : i32 to vector<16xi32>
      %eq3A_266 = arith.cmpi eq, %select_n3A_228, %eq3A_265 : vector<16xi32>
      %select_n3A_267 = arith.select %eq3A_266, %broadcast_in_dim3A_5, %get3A_195 : vector<16xi1>, vector<16xf32>
      %max3A_268 = arith.maximumf %max3A_263, %select_n3A_267 : vector<16xf32>
      %broadcast_in_dim3A_269 = arith.constant 7 : i32
      %broadcast_in_dim3A_270 = vector.broadcast %broadcast_in_dim3A_269 : i32 to vector<16xi32>
      %eq3A_271 = arith.constant 6 : i32
      %eq3A_272 = vector.broadcast %eq3A_271 : i32 to vector<16xi32>
      %eq3A_273 = arith.cmpi eq, %select_n3A_228, %eq3A_272 : vector<16xi32>
      %select_n3A_274 = arith.select %eq3A_273, %broadcast_in_dim3A_5, %get3A_190 : vector<16xi1>, vector<16xf32>
      %eq3A_275 = arith.cmpf oeq, %select_n3A_274, %max3A_268 : vector<16xf32>
      %jit3A_276 = arith.constant 6 : i32
      %broadcast_in_dim3A_277 = vector.broadcast %jit3A_276 : i32 to vector<16xi32>
      %select_n3A_278 = arith.select %eq3A_275, %broadcast_in_dim3A_277, %broadcast_in_dim3A_270 : vector<16xi1>, vector<16xi32>
      %eq3A_279 = arith.constant 5 : i32
      %eq3A_280 = vector.broadcast %eq3A_279 : i32 to vector<16xi32>
      %eq3A_281 = arith.cmpi eq, %select_n3A_228, %eq3A_280 : vector<16xi32>
      %select_n3A_282 = arith.select %eq3A_281, %broadcast_in_dim3A_5, %get3A_185 : vector<16xi1>, vector<16xf32>
      %eq3A_283 = arith.cmpf oeq, %select_n3A_282, %max3A_268 : vector<16xf32>
      %jit3A_284 = arith.constant 5 : i32
      %broadcast_in_dim3A_285 = vector.broadcast %jit3A_284 : i32 to vector<16xi32>
      %select_n3A_286 = arith.select %eq3A_283, %broadcast_in_dim3A_285, %select_n3A_278 : vector<16xi1>, vector<16xi32>
      %eq3A_287 = arith.constant 4 : i32
      %eq3A_288 = vector.broadcast %eq3A_287 : i32 to vector<16xi32>
      %eq3A_289 = arith.cmpi eq, %select_n3A_228, %eq3A_288 : vector<16xi32>
      %select_n3A_290 = arith.select %eq3A_289, %broadcast_in_dim3A_5, %get3A_180 : vector<16xi1>, vector<16xf32>
      %eq3A_291 = arith.cmpf oeq, %select_n3A_290, %max3A_268 : vector<16xf32>
      %jit3A_292 = arith.constant 4 : i32
      %broadcast_in_dim3A_293 = vector.broadcast %jit3A_292 : i32 to vector<16xi32>
      %select_n3A_294 = arith.select %eq3A_291, %broadcast_in_dim3A_293, %select_n3A_286 : vector<16xi1>, vector<16xi32>
      %eq3A_295 = arith.constant 3 : i32
      %eq3A_296 = vector.broadcast %eq3A_295 : i32 to vector<16xi32>
      %eq3A_297 = arith.cmpi eq, %select_n3A_228, %eq3A_296 : vector<16xi32>
      %select_n3A_298 = arith.select %eq3A_297, %broadcast_in_dim3A_5, %get3A_175 : vector<16xi1>, vector<16xf32>
      %eq3A_299 = arith.cmpf oeq, %select_n3A_298, %max3A_268 : vector<16xf32>
      %jit3A_300 = arith.constant 3 : i32
      %broadcast_in_dim3A_301 = vector.broadcast %jit3A_300 : i32 to vector<16xi32>
      %select_n3A_302 = arith.select %eq3A_299, %broadcast_in_dim3A_301, %select_n3A_294 : vector<16xi1>, vector<16xi32>
      %eq3A_303 = arith.constant 2 : i32
      %eq3A_304 = vector.broadcast %eq3A_303 : i32 to vector<16xi32>
      %eq3A_305 = arith.cmpi eq, %select_n3A_228, %eq3A_304 : vector<16xi32>
      %select_n3A_306 = arith.select %eq3A_305, %broadcast_in_dim3A_5, %get3A_170 : vector<16xi1>, vector<16xf32>
      %eq3A_307 = arith.cmpf oeq, %select_n3A_306, %max3A_268 : vector<16xf32>
      %jit3A_308 = arith.constant 2 : i32
      %broadcast_in_dim3A_309 = vector.broadcast %jit3A_308 : i32 to vector<16xi32>
      %select_n3A_310 = arith.select %eq3A_307, %broadcast_in_dim3A_309, %select_n3A_302 : vector<16xi1>, vector<16xi32>
      %eq3A_311 = arith.constant 1 : i32
      %eq3A_312 = vector.broadcast %eq3A_311 : i32 to vector<16xi32>
      %eq3A_313 = arith.cmpi eq, %select_n3A_228, %eq3A_312 : vector<16xi32>
      %select_n3A_314 = arith.select %eq3A_313, %broadcast_in_dim3A_5, %get3A_165 : vector<16xi1>, vector<16xf32>
      %eq3A_315 = arith.cmpf oeq, %select_n3A_314, %max3A_268 : vector<16xf32>
      %jit3A_316 = arith.constant 1 : i32
      %broadcast_in_dim3A_317 = vector.broadcast %jit3A_316 : i32 to vector<16xi32>
      %select_n3A_318 = arith.select %eq3A_315, %broadcast_in_dim3A_317, %select_n3A_310 : vector<16xi1>, vector<16xi32>
      %eq3A_319 = arith.constant 0 : i32
      %eq3A_320 = vector.broadcast %eq3A_319 : i32 to vector<16xi32>
      %eq3A_321 = arith.cmpi eq, %select_n3A_228, %eq3A_320 : vector<16xi32>
      %select_n3A_322 = arith.select %eq3A_321, %broadcast_in_dim3A_5, %get3A_160 : vector<16xi1>, vector<16xf32>
      %eq3A_323 = arith.cmpf oeq, %select_n3A_322, %max3A_268 : vector<16xf32>
      %jit3A_324 = arith.constant 0 : i32
      %broadcast_in_dim3A_325 = vector.broadcast %jit3A_324 : i32 to vector<16xi32>
      %select_n3A_326 = arith.select %eq3A_323, %broadcast_in_dim3A_325, %select_n3A_318 : vector<16xi1>, vector<16xi32>
      %sub3A = arith.subf %max3A_268, %max3A_201 : vector<16xf32>
      %exp3A = math.exp %sub3A : vector<16xf32>
      %add3A_327 = arith.constant 1.000000e+00 : f32
      %add3A_328 = vector.broadcast %add3A_327 : f32 to vector<16xf32>
      %add3A_329 = arith.addf %add3A_328, %exp3A : vector<16xf32>
      %div3A = arith.constant 1.000000e+00 : f32
      %div3A_330 = vector.broadcast %div3A : f32 to vector<16xf32>
      %div3A_331 = arith.divf %div3A_330, %add3A_329 : vector<16xf32>
      %swap3A_332 = arith.constant 0 : i32
      %swap3A_333 = arith.index_cast %swap3A_332 : i32 to index
      %swap3A_334 = arith.index_cast %mul3A_156 : i32 to index
      %swap3A_335 = tpu.vector_load %arg7[%swap3A_333, %swap3A_334] {strides = array<i32>} : memref<2x1024xf32, #tpu.memory_space<vmem>>, vector<1x16xf32>,
      %swap3A_336 = vector.shape_cast %swap3A_335 : vector<1x16xf32> to vector<16xf32>
      %swap3A_337 = vector.shape_cast %div3A_331 : vector<16xf32> to vector<1x16xf32>
      tpu.vector_store %arg7[%swap3A_333, %swap3A_334], %swap3A_337 {strides = array<i32>} : memref<2x1024xf32, #tpu.memory_space<vmem>>, vector<1x16xf32>,
      %mul3A_338 = arith.mulf %exp3A, %div3A_331 : vector<16xf32>
      %swap3A_339 = arith.constant 1 : i32
      %swap3A_340 = arith.index_cast %swap3A_339 : i32 to index
      %swap3A_341 = arith.index_cast %mul3A_156 : i32 to index
      %swap3A_342 = tpu.vector_load %arg7[%swap3A_340, %swap3A_341] {strides = array<i32>} : memref<2x1024xf32, #tpu.memory_space<vmem>>, vector<1x16xf32>,
      %swap3A_343 = vector.shape_cast %swap3A_342 : vector<1x16xf32> to vector<16xf32>
      %swap3A_344 = vector.shape_cast %mul3A_338 : vector<16xf32> to vector<1x16xf32>
      tpu.vector_store %arg7[%swap3A_340, %swap3A_341], %swap3A_344 {strides = array<i32>} : memref<2x1024xf32, #tpu.memory_space<vmem>>, vector<1x16xf32>,
      %swap3A_345 = arith.constant 0 : i32
      %swap3A_346 = arith.index_cast %swap3A_345 : i32 to index
      %swap3A_347 = arith.index_cast %mul3A_156 : i32 to index
      %swap3A_348 = tpu.vector_load %arg8[%swap3A_346, %swap3A_347] {strides = array<i32>} : memref<2x1024xi32, #tpu.memory_space<vmem>>, vector<1x16xi32>,
      %swap3A_349 = vector.shape_cast %swap3A_348 : vector<1x16xi32> to vector<16xi32>
      %swap3A_350 = vector.shape_cast %select_n3A_228 : vector<16xi32> to vector<1x16xi32>
      tpu.vector_store %arg8[%swap3A_346, %swap3A_347], %swap3A_350 {strides = array<i32>} : memref<2x1024xi32, #tpu.memory_space<vmem>>, vector<1x16xi32>,
      %swap3A_351 = arith.constant 1 : i32
      %swap3A_352 = arith.index_cast %swap3A_351 : i32 to index
      %swap3A_353 = arith.index_cast %mul3A_156 : i32 to index
      %swap3A_354 = tpu.vector_load %arg8[%swap3A_352, %swap3A_353] {strides = array<i32>} : memref<2x1024xi32, #tpu.memory_space<vmem>>, vector<1x16xi32>,
      %swap3A_355 = vector.shape_cast %swap3A_354 : vector<1x16xi32> to vector<16xi32>
      %swap3A_356 = vector.shape_cast %select_n3A_326 : vector<16xi32> to vector<1x16xi32>
      tpu.vector_store %arg8[%swap3A_352, %swap3A_353], %swap3A_356 {strides = array<i32>} : memref<2x1024xi32, #tpu.memory_space<vmem>>, vector<1x16xi32>,
      %sub3A_357 = arith.subf %get3A_160, %max3A_201 : vector<16xf32>
      %exp3A_358 = math.exp %sub3A_357 : vector<16xf32>
      %sub3A_359 = arith.subf %get3A_165, %max3A_201 : vector<16xf32>
      %exp3A_360 = math.exp %sub3A_359 : vector<16xf32>
      %sub3A_361 = arith.subf %get3A_170, %max3A_201 : vector<16xf32>
      %exp3A_362 = math.exp %sub3A_361 : vector<16xf32>
      %sub3A_363 = arith.subf %get3A_175, %max3A_201 : vector<16xf32>
      %exp3A_364 = math.exp %sub3A_363 : vector<16xf32>
      %sub3A_365 = arith.subf %get3A_180, %max3A_201 : vector<16xf32>
      %exp3A_366 = math.exp %sub3A_365 : vector<16xf32>
      %sub3A_367 = arith.subf %get3A_185, %max3A_201 : vector<16xf32>
      %exp3A_368 = math.exp %sub3A_367 : vector<16xf32>
      %sub3A_369 = arith.subf %get3A_190, %max3A_201 : vector<16xf32>
      %exp3A_370 = math.exp %sub3A_369 : vector<16xf32>
      %sub3A_371 = arith.subf %get3A_195, %max3A_201 : vector<16xf32>
      %exp3A_372 = math.exp %sub3A_371 : vector<16xf32>
      %add3A_373 = arith.addf %exp3A_358, %exp3A_360 : vector<16xf32>
      %add3A_374 = arith.addf %add3A_373, %exp3A_362 : vector<16xf32>
      %add3A_375 = arith.addf %add3A_374, %exp3A_364 : vector<16xf32>
      %add3A_376 = arith.addf %add3A_375, %exp3A_366 : vector<16xf32>
      %add3A_377 = arith.addf %add3A_376, %exp3A_368 : vector<16xf32>
      %add3A_378 = arith.addf %add3A_377, %exp3A_370 : vector<16xf32>
      %add3A_379 = arith.addf %add3A_378, %exp3A_372 : vector<16xf32>
      %div3A_380 = arith.constant 1.000000e+00 : f32
      %div3A_381 = vector.broadcast %div3A_380 : f32 to vector<16xf32>
      %div3A_382 = arith.divf %div3A_381, %add3A_379 : vector<16xf32>
      %mul3A_383 = arith.mulf %exp3A_358, %div3A_382 : vector<16xf32>
      %add3A_384 = arith.addf %scan3A_139, %mul3A_383 : vector<16xf32>
      %mul3A_385 = arith.mulf %exp3A_360, %div3A_382 : vector<16xf32>
      %add3A_386 = arith.addf %scan3A_140, %mul3A_385 : vector<16xf32>
      %mul3A_387 = arith.mulf %exp3A_362, %div3A_382 : vector<16xf32>
      %add3A_388 = arith.addf %scan3A_141, %mul3A_387 : vector<16xf32>
      %mul3A_389 = arith.mulf %exp3A_364, %div3A_382 : vector<16xf32>
      %add3A_390 = arith.addf %scan3A_142, %mul3A_389 : vector<16xf32>
      %mul3A_391 = arith.mulf %exp3A_366, %div3A_382 : vector<16xf32>
      %add3A_392 = arith.addf %scan3A_143, %mul3A_391 : vector<16xf32>
      %mul3A_393 = arith.mulf %exp3A_368, %div3A_382 : vector<16xf32>
      %add3A_394 = arith.addf %scan3A_144, %mul3A_393 : vector<16xf32>
      %mul3A_395 = arith.mulf %exp3A_370, %div3A_382 : vector<16xf32>
      %add3A_396 = arith.addf %scan3A_145, %mul3A_395 : vector<16xf32>
      %mul3A_397 = arith.mulf %exp3A_372, %div3A_382 : vector<16xf32>
      %add3A_398 = arith.addf %scan3A_146, %mul3A_397 : vector<16xf32>
      %eq3A_399 = arith.constant 0 : i32
      %eq3A_400 = vector.broadcast %eq3A_399 : i32 to vector<16xi32>
      %eq3A_401 = arith.cmpi eq, %select_n3A_228, %eq3A_400 : vector<16xi32>
      %jit3A_402 = arith.constant 1.000000e+00 : f32
      %jit3A_403 = arith.constant 0.000000e+00 : f32
      %broadcast_in_dim3A_404 = vector.broadcast %jit3A_402 : f32 to vector<16xf32>
      %broadcast_in_dim3A_405 = vector.broadcast %jit3A_403 : f32 to vector<16xf32>
      %select_n3A_406 = arith.select %eq3A_401, %broadcast_in_dim3A_404, %broadcast_in_dim3A_405 : vector<16xi1>, vector<16xf32>
      %add3A_407 = arith.addf %scan3A_147, %select_n3A_406 : vector<16xf32>
      %eq3A_408 = arith.constant 0 : i32
      %eq3A_409 = vector.broadcast %eq3A_408 : i32 to vector<16xi32>
      %eq3A_410 = arith.cmpi eq, %select_n3A_326, %eq3A_409 : vector<16xi32>
      %jit3A_411 = arith.constant 1.000000e+00 : f32
      %jit3A_412 = arith.constant 0.000000e+00 : f32
      %broadcast_in_dim3A_413 = vector.broadcast %jit3A_411 : f32 to vector<16xf32>
      %broadcast_in_dim3A_414 = vector.broadcast %jit3A_412 : f32 to vector<16xf32>
      %select_n3A_415 = arith.select %eq3A_410, %broadcast_in_dim3A_413, %broadcast_in_dim3A_414 : vector<16xi1>, vector<16xf32>
      %add3A_416 = arith.addf %add3A_407, %select_n3A_415 : vector<16xf32>
      %eq3A_417 = arith.constant 1 : i32
      %eq3A_418 = vector.broadcast %eq3A_417 : i32 to vector<16xi32>
      %eq3A_419 = arith.cmpi eq, %select_n3A_228, %eq3A_418 : vector<16xi32>
      %jit3A_420 = arith.constant 1.000000e+00 : f32
      %jit3A_421 = arith.constant 0.000000e+00 : f32
      %broadcast_in_dim3A_422 = vector.broadcast %jit3A_420 : f32 to vector<16xf32>
      %broadcast_in_dim3A_423 = vector.broadcast %jit3A_421 : f32 to vector<16xf32>
      %select_n3A_424 = arith.select %eq3A_419, %broadcast_in_dim3A_422, %broadcast_in_dim3A_423 : vector<16xi1>, vector<16xf32>
      %add3A_425 = arith.addf %scan3A_148, %select_n3A_424 : vector<16xf32>
      %eq3A_426 = arith.constant 1 : i32
      %eq3A_427 = vector.broadcast %eq3A_426 : i32 to vector<16xi32>
      %eq3A_428 = arith.cmpi eq, %select_n3A_326, %eq3A_427 : vector<16xi32>
      %jit3A_429 = arith.constant 1.000000e+00 : f32
      %jit3A_430 = arith.constant 0.000000e+00 : f32
      %broadcast_in_dim3A_431 = vector.broadcast %jit3A_429 : f32 to vector<16xf32>
      %broadcast_in_dim3A_432 = vector.broadcast %jit3A_430 : f32 to vector<16xf32>
      %select_n3A_433 = arith.select %eq3A_428, %broadcast_in_dim3A_431, %broadcast_in_dim3A_432 : vector<16xi1>, vector<16xf32>
      %add3A_434 = arith.addf %add3A_425, %select_n3A_433 : vector<16xf32>
      %eq3A_435 = arith.constant 2 : i32
      %eq3A_436 = vector.broadcast %eq3A_435 : i32 to vector<16xi32>
      %eq3A_437 = arith.cmpi eq, %select_n3A_228, %eq3A_436 : vector<16xi32>
      %jit3A_438 = arith.constant 1.000000e+00 : f32
      %jit3A_439 = arith.constant 0.000000e+00 : f32
      %broadcast_in_dim3A_440 = vector.broadcast %jit3A_438 : f32 to vector<16xf32>
      %broadcast_in_dim3A_441 = vector.broadcast %jit3A_439 : f32 to vector<16xf32>
      %select_n3A_442 = arith.select %eq3A_437, %broadcast_in_dim3A_440, %broadcast_in_dim3A_441 : vector<16xi1>, vector<16xf32>
      %add3A_443 = arith.addf %scan3A_149, %select_n3A_442 : vector<16xf32>
      %eq3A_444 = arith.constant 2 : i32
      %eq3A_445 = vector.broadcast %eq3A_444 : i32 to vector<16xi32>
      %eq3A_446 = arith.cmpi eq, %select_n3A_326, %eq3A_445 : vector<16xi32>
      %jit3A_447 = arith.constant 1.000000e+00 : f32
      %jit3A_448 = arith.constant 0.000000e+00 : f32
      %broadcast_in_dim3A_449 = vector.broadcast %jit3A_447 : f32 to vector<16xf32>
      %broadcast_in_dim3A_450 = vector.broadcast %jit3A_448 : f32 to vector<16xf32>
      %select_n3A_451 = arith.select %eq3A_446, %broadcast_in_dim3A_449, %broadcast_in_dim3A_450 : vector<16xi1>, vector<16xf32>
      %add3A_452 = arith.addf %add3A_443, %select_n3A_451 : vector<16xf32>
      %eq3A_453 = arith.constant 3 : i32
      %eq3A_454 = vector.broadcast %eq3A_453 : i32 to vector<16xi32>
      %eq3A_455 = arith.cmpi eq, %select_n3A_228, %eq3A_454 : vector<16xi32>
      %jit3A_456 = arith.constant 1.000000e+00 : f32
      %jit3A_457 = arith.constant 0.000000e+00 : f32
      %broadcast_in_dim3A_458 = vector.broadcast %jit3A_456 : f32 to vector<16xf32>
      %broadcast_in_dim3A_459 = vector.broadcast %jit3A_457 : f32 to vector<16xf32>
      %select_n3A_460 = arith.select %eq3A_455, %broadcast_in_dim3A_458, %broadcast_in_dim3A_459 : vector<16xi1>, vector<16xf32>
      %add3A_461 = arith.addf %scan3A_150, %select_n3A_460 : vector<16xf32>
      %eq3A_462 = arith.constant 3 : i32
      %eq3A_463 = vector.broadcast %eq3A_462 : i32 to vector<16xi32>
      %eq3A_464 = arith.cmpi eq, %select_n3A_326, %eq3A_463 : vector<16xi32>
      %jit3A_465 = arith.constant 1.000000e+00 : f32
      %jit3A_466 = arith.constant 0.000000e+00 : f32
      %broadcast_in_dim3A_467 = vector.broadcast %jit3A_465 : f32 to vector<16xf32>
      %broadcast_in_dim3A_468 = vector.broadcast %jit3A_466 : f32 to vector<16xf32>
      %select_n3A_469 = arith.select %eq3A_464, %broadcast_in_dim3A_467, %broadcast_in_dim3A_468 : vector<16xi1>, vector<16xf32>
      %add3A_470 = arith.addf %add3A_461, %select_n3A_469 : vector<16xf32>
      %eq3A_471 = arith.constant 4 : i32
      %eq3A_472 = vector.broadcast %eq3A_471 : i32 to vector<16xi32>
      %eq3A_473 = arith.cmpi eq, %select_n3A_228, %eq3A_472 : vector<16xi32>
      %jit3A_474 = arith.constant 1.000000e+00 : f32
      %jit3A_475 = arith.constant 0.000000e+00 : f32
      %broadcast_in_dim3A_476 = vector.broadcast %jit3A_474 : f32 to vector<16xf32>
      %broadcast_in_dim3A_477 = vector.broadcast %jit3A_475 : f32 to vector<16xf32>
      %select_n3A_478 = arith.select %eq3A_473, %broadcast_in_dim3A_476, %broadcast_in_dim3A_477 : vector<16xi1>, vector<16xf32>
      %add3A_479 = arith.addf %scan3A_151, %select_n3A_478 : vector<16xf32>
      %eq3A_480 = arith.constant 4 : i32
      %eq3A_481 = vector.broadcast %eq3A_480 : i32 to vector<16xi32>
      %eq3A_482 = arith.cmpi eq, %select_n3A_326, %eq3A_481 : vector<16xi32>
      %jit3A_483 = arith.constant 1.000000e+00 : f32
      %jit3A_484 = arith.constant 0.000000e+00 : f32
      %broadcast_in_dim3A_485 = vector.broadcast %jit3A_483 : f32 to vector<16xf32>
      %broadcast_in_dim3A_486 = vector.broadcast %jit3A_484 : f32 to vector<16xf32>
      %select_n3A_487 = arith.select %eq3A_482, %broadcast_in_dim3A_485, %broadcast_in_dim3A_486 : vector<16xi1>, vector<16xf32>
      %add3A_488 = arith.addf %add3A_479, %select_n3A_487 : vector<16xf32>
      %eq3A_489 = arith.constant 5 : i32
      %eq3A_490 = vector.broadcast %eq3A_489 : i32 to vector<16xi32>
      %eq3A_491 = arith.cmpi eq, %select_n3A_228, %eq3A_490 : vector<16xi32>
      %jit3A_492 = arith.constant 1.000000e+00 : f32
      %jit3A_493 = arith.constant 0.000000e+00 : f32
      %broadcast_in_dim3A_494 = vector.broadcast %jit3A_492 : f32 to vector<16xf32>
      %broadcast_in_dim3A_495 = vector.broadcast %jit3A_493 : f32 to vector<16xf32>
      %select_n3A_496 = arith.select %eq3A_491, %broadcast_in_dim3A_494, %broadcast_in_dim3A_495 : vector<16xi1>, vector<16xf32>
      %add3A_497 = arith.addf %scan3A_152, %select_n3A_496 : vector<16xf32>
      %eq3A_498 = arith.constant 5 : i32
      %eq3A_499 = vector.broadcast %eq3A_498 : i32 to vector<16xi32>
      %eq3A_500 = arith.cmpi eq, %select_n3A_326, %eq3A_499 : vector<16xi32>
      %jit3A_501 = arith.constant 1.000000e+00 : f32
      %jit3A_502 = arith.constant 0.000000e+00 : f32
      %broadcast_in_dim3A_503 = vector.broadcast %jit3A_501 : f32 to vector<16xf32>
      %broadcast_in_dim3A_504 = vector.broadcast %jit3A_502 : f32 to vector<16xf32>
      %select_n3A_505 = arith.select %eq3A_500, %broadcast_in_dim3A_503, %broadcast_in_dim3A_504 : vector<16xi1>, vector<16xf32>
      %add3A_506 = arith.addf %add3A_497, %select_n3A_505 : vector<16xf32>
      %eq3A_507 = arith.constant 6 : i32
      %eq3A_508 = vector.broadcast %eq3A_507 : i32 to vector<16xi32>
      %eq3A_509 = arith.cmpi eq, %select_n3A_228, %eq3A_508 : vector<16xi32>
      %jit3A_510 = arith.constant 1.000000e+00 : f32
      %jit3A_511 = arith.constant 0.000000e+00 : f32
      %broadcast_in_dim3A_512 = vector.broadcast %jit3A_510 : f32 to vector<16xf32>
      %broadcast_in_dim3A_513 = vector.broadcast %jit3A_511 : f32 to vector<16xf32>
      %select_n3A_514 = arith.select %eq3A_509, %broadcast_in_dim3A_512, %broadcast_in_dim3A_513 : vector<16xi1>, vector<16xf32>
      %add3A_515 = arith.addf %scan3A_153, %select_n3A_514 : vector<16xf32>
      %eq3A_516 = arith.constant 6 : i32
      %eq3A_517 = vector.broadcast %eq3A_516 : i32 to vector<16xi32>
      %eq3A_518 = arith.cmpi eq, %select_n3A_326, %eq3A_517 : vector<16xi32>
      %jit3A_519 = arith.constant 1.000000e+00 : f32
      %jit3A_520 = arith.constant 0.000000e+00 : f32
      %broadcast_in_dim3A_521 = vector.broadcast %jit3A_519 : f32 to vector<16xf32>
      %broadcast_in_dim3A_522 = vector.broadcast %jit3A_520 : f32 to vector<16xf32>
      %select_n3A_523 = arith.select %eq3A_518, %broadcast_in_dim3A_521, %broadcast_in_dim3A_522 : vector<16xi1>, vector<16xf32>
      %add3A_524 = arith.addf %add3A_515, %select_n3A_523 : vector<16xf32>
      %eq3A_525 = arith.constant 7 : i32
      %eq3A_526 = vector.broadcast %eq3A_525 : i32 to vector<16xi32>
      %eq3A_527 = arith.cmpi eq, %select_n3A_228, %eq3A_526 : vector<16xi32>
      %jit3A_528 = arith.constant 1.000000e+00 : f32
      %jit3A_529 = arith.constant 0.000000e+00 : f32
      %broadcast_in_dim3A_530 = vector.broadcast %jit3A_528 : f32 to vector<16xf32>
      %broadcast_in_dim3A_531 = vector.broadcast %jit3A_529 : f32 to vector<16xf32>
      %select_n3A_532 = arith.select %eq3A_527, %broadcast_in_dim3A_530, %broadcast_in_dim3A_531 : vector<16xi1>, vector<16xf32>
      %add3A_533 = arith.addf %scan3A_154, %select_n3A_532 : vector<16xf32>
      %eq3A_534 = arith.constant 7 : i32
      %eq3A_535 = vector.broadcast %eq3A_534 : i32 to vector<16xi32>
      %eq3A_536 = arith.cmpi eq, %select_n3A_326, %eq3A_535 : vector<16xi32>
      %jit3A_537 = arith.constant 1.000000e+00 : f32
      %jit3A_538 = arith.constant 0.000000e+00 : f32
      %broadcast_in_dim3A_539 = vector.broadcast %jit3A_537 : f32 to vector<16xf32>
      %broadcast_in_dim3A_540 = vector.broadcast %jit3A_538 : f32 to vector<16xf32>
      %select_n3A_541 = arith.select %eq3A_536, %broadcast_in_dim3A_539, %broadcast_in_dim3A_540 : vector<16xi1>, vector<16xf32>
      %add3A_542 = arith.addf %add3A_533, %select_n3A_541 : vector<16xf32>
      scf.yield %add3A_384, %add3A_386, %add3A_388, %add3A_390, %add3A_392, %add3A_394, %add3A_396, %add3A_398, %add3A_416, %add3A_434, %add3A_452, %add3A_470, %add3A_488, %add3A_506, %add3A_524, %add3A_542 : vector<16xf32>, vector<16xf32>, vector<16xf32>, vector<16xf32>, vector<16xf32>, vector<16xf32>, vector<16xf32>, vector<16xf32>, vector<16xf32>, vector<16xf32>, vector<16xf32>, vector<16xf32>, vector<16xf32>, vector<16xf32>, vector<16xf32>, vector<16xf32>
    }
    %scan3A_10 = arith.constant 64 : i32
    %swap3A = arith.constant 0 : i32
    %swap3A_11 = arith.constant 0 : i32
    %swap3A_12 = arith.index_cast %swap3A : i32 to index
    %swap3A_13 = arith.index_cast %swap3A_11 : i32 to index
    %swap3A_14 = arith.constant 0 : index
    %swap3A_15 = tpu.vector_load %arg9[%swap3A_12, %swap3A_13, %swap3A_14] {strides = array<i32>} : memref<2x8x16xf32, #tpu.memory_space<vmem>>, vector<1x1x16xf32>,
    %swap3A_16 = vector.shape_cast %swap3A_15 : vector<1x1x16xf32> to vector<16xf32>
    %swap3A_17 = vector.shape_cast %scan3A_9#0 : vector<16xf32> to vector<1x1x16xf32>
    tpu.vector_store %arg9[%swap3A_12, %swap3A_13, %swap3A_14], %swap3A_17 {strides = array<i32>} : memref<2x8x16xf32, #tpu.memory_space<vmem>>, vector<1x1x16xf32>,
    %swap3A_18 = arith.constant 1 : i32
    %swap3A_19 = arith.constant 0 : i32
    %swap3A_20 = arith.index_cast %swap3A_18 : i32 to index
    %swap3A_21 = arith.index_cast %swap3A_19 : i32 to index
    %swap3A_22 = arith.constant 0 : index
    %swap3A_23 = tpu.vector_load %arg9[%swap3A_20, %swap3A_21, %swap3A_22] {strides = array<i32>} : memref<2x8x16xf32, #tpu.memory_space<vmem>>, vector<1x1x16xf32>,
    %swap3A_24 = vector.shape_cast %swap3A_23 : vector<1x1x16xf32> to vector<16xf32>
    %swap3A_25 = vector.shape_cast %scan3A_9#8 : vector<16xf32> to vector<1x1x16xf32>
    tpu.vector_store %arg9[%swap3A_20, %swap3A_21, %swap3A_22], %swap3A_25 {strides = array<i32>} : memref<2x8x16xf32, #tpu.memory_space<vmem>>, vector<1x1x16xf32>,
    %swap3A_26 = arith.constant 0 : i32
    %swap3A_27 = arith.constant 1 : i32
    %swap3A_28 = arith.index_cast %swap3A_26 : i32 to index
    %swap3A_29 = arith.index_cast %swap3A_27 : i32 to index
    %swap3A_30 = arith.constant 0 : index
    %swap3A_31 = tpu.vector_load %arg9[%swap3A_28, %swap3A_29, %swap3A_30] {strides = array<i32>} : memref<2x8x16xf32, #tpu.memory_space<vmem>>, vector<1x1x16xf32>,
    %swap3A_32 = vector.shape_cast %swap3A_31 : vector<1x1x16xf32> to vector<16xf32>
    %swap3A_33 = vector.shape_cast %scan3A_9#1 : vector<16xf32> to vector<1x1x16xf32>
    tpu.vector_store %arg9[%swap3A_28, %swap3A_29, %swap3A_30], %swap3A_33 {strides = array<i32>} : memref<2x8x16xf32, #tpu.memory_space<vmem>>, vector<1x1x16xf32>,
    %swap3A_34 = arith.constant 1 : i32
    %swap3A_35 = arith.constant 1 : i32
    %swap3A_36 = arith.index_cast %swap3A_34 : i32 to index
    %swap3A_37 = arith.index_cast %swap3A_35 : i32 to index
    %swap3A_38 = arith.constant 0 : index
    %swap3A_39 = tpu.vector_load %arg9[%swap3A_36, %swap3A_37, %swap3A_38] {strides = array<i32>} : memref<2x8x16xf32, #tpu.memory_space<vmem>>, vector<1x1x16xf32>,
    %swap3A_40 = vector.shape_cast %swap3A_39 : vector<1x1x16xf32> to vector<16xf32>
    %swap3A_41 = vector.shape_cast %scan3A_9#9 : vector<16xf32> to vector<1x1x16xf32>
    tpu.vector_store %arg9[%swap3A_36, %swap3A_37, %swap3A_38], %swap3A_41 {strides = array<i32>} : memref<2x8x16xf32, #tpu.memory_space<vmem>>, vector<1x1x16xf32>,
    %swap3A_42 = arith.constant 0 : i32
    %swap3A_43 = arith.constant 2 : i32
    %swap3A_44 = arith.index_cast %swap3A_42 : i32 to index
    %swap3A_45 = arith.index_cast %swap3A_43 : i32 to index
    %swap3A_46 = arith.constant 0 : index
    %swap3A_47 = tpu.vector_load %arg9[%swap3A_44, %swap3A_45, %swap3A_46] {strides = array<i32>} : memref<2x8x16xf32, #tpu.memory_space<vmem>>, vector<1x1x16xf32>,
    %swap3A_48 = vector.shape_cast %swap3A_47 : vector<1x1x16xf32> to vector<16xf32>
    %swap3A_49 = vector.shape_cast %scan3A_9#2 : vector<16xf32> to vector<1x1x16xf32>
    tpu.vector_store %arg9[%swap3A_44, %swap3A_45, %swap3A_46], %swap3A_49 {strides = array<i32>} : memref<2x8x16xf32, #tpu.memory_space<vmem>>, vector<1x1x16xf32>,
    %swap3A_50 = arith.constant 1 : i32
    %swap3A_51 = arith.constant 2 : i32
    %swap3A_52 = arith.index_cast %swap3A_50 : i32 to index
    %swap3A_53 = arith.index_cast %swap3A_51 : i32 to index
    %swap3A_54 = arith.constant 0 : index
    %swap3A_55 = tpu.vector_load %arg9[%swap3A_52, %swap3A_53, %swap3A_54] {strides = array<i32>} : memref<2x8x16xf32, #tpu.memory_space<vmem>>, vector<1x1x16xf32>,
    %swap3A_56 = vector.shape_cast %swap3A_55 : vector<1x1x16xf32> to vector<16xf32>
    %swap3A_57 = vector.shape_cast %scan3A_9#10 : vector<16xf32> to vector<1x1x16xf32>
    tpu.vector_store %arg9[%swap3A_52, %swap3A_53, %swap3A_54], %swap3A_57 {strides = array<i32>} : memref<2x8x16xf32, #tpu.memory_space<vmem>>, vector<1x1x16xf32>,
    %swap3A_58 = arith.constant 0 : i32
    %swap3A_59 = arith.constant 3 : i32
    %swap3A_60 = arith.index_cast %swap3A_58 : i32 to index
    %swap3A_61 = arith.index_cast %swap3A_59 : i32 to index
    %swap3A_62 = arith.constant 0 : index
    %swap3A_63 = tpu.vector_load %arg9[%swap3A_60, %swap3A_61, %swap3A_62] {strides = array<i32>} : memref<2x8x16xf32, #tpu.memory_space<vmem>>, vector<1x1x16xf32>,
    %swap3A_64 = vector.shape_cast %swap3A_63 : vector<1x1x16xf32> to vector<16xf32>
    %swap3A_65 = vector.shape_cast %scan3A_9#3 : vector<16xf32> to vector<1x1x16xf32>
    tpu.vector_store %arg9[%swap3A_60, %swap3A_61, %swap3A_62], %swap3A_65 {strides = array<i32>} : memref<2x8x16xf32, #tpu.memory_space<vmem>>, vector<1x1x16xf32>,
    %swap3A_66 = arith.constant 1 : i32
    %swap3A_67 = arith.constant 3 : i32
    %swap3A_68 = arith.index_cast %swap3A_66 : i32 to index
    %swap3A_69 = arith.index_cast %swap3A_67 : i32 to index
    %swap3A_70 = arith.constant 0 : index
    %swap3A_71 = tpu.vector_load %arg9[%swap3A_68, %swap3A_69, %swap3A_70] {strides = array<i32>} : memref<2x8x16xf32, #tpu.memory_space<vmem>>, vector<1x1x16xf32>,
    %swap3A_72 = vector.shape_cast %swap3A_71 : vector<1x1x16xf32> to vector<16xf32>
    %swap3A_73 = vector.shape_cast %scan3A_9#11 : vector<16xf32> to vector<1x1x16xf32>
    tpu.vector_store %arg9[%swap3A_68, %swap3A_69, %swap3A_70], %swap3A_73 {strides = array<i32>} : memref<2x8x16xf32, #tpu.memory_space<vmem>>, vector<1x1x16xf32>,
    %swap3A_74 = arith.constant 0 : i32
    %swap3A_75 = arith.constant 4 : i32
    %swap3A_76 = arith.index_cast %swap3A_74 : i32 to index
    %swap3A_77 = arith.index_cast %swap3A_75 : i32 to index
    %swap3A_78 = arith.constant 0 : index
    %swap3A_79 = tpu.vector_load %arg9[%swap3A_76, %swap3A_77, %swap3A_78] {strides = array<i32>} : memref<2x8x16xf32, #tpu.memory_space<vmem>>, vector<1x1x16xf32>,
    %swap3A_80 = vector.shape_cast %swap3A_79 : vector<1x1x16xf32> to vector<16xf32>
    %swap3A_81 = vector.shape_cast %scan3A_9#4 : vector<16xf32> to vector<1x1x16xf32>
    tpu.vector_store %arg9[%swap3A_76, %swap3A_77, %swap3A_78], %swap3A_81 {strides = array<i32>} : memref<2x8x16xf32, #tpu.memory_space<vmem>>, vector<1x1x16xf32>,
    %swap3A_82 = arith.constant 1 : i32
    %swap3A_83 = arith.constant 4 : i32
    %swap3A_84 = arith.index_cast %swap3A_82 : i32 to index
    %swap3A_85 = arith.index_cast %swap3A_83 : i32 to index
    %swap3A_86 = arith.constant 0 : index
    %swap3A_87 = tpu.vector_load %arg9[%swap3A_84, %swap3A_85, %swap3A_86] {strides = array<i32>} : memref<2x8x16xf32, #tpu.memory_space<vmem>>, vector<1x1x16xf32>,
    %swap3A_88 = vector.shape_cast %swap3A_87 : vector<1x1x16xf32> to vector<16xf32>
    %swap3A_89 = vector.shape_cast %scan3A_9#12 : vector<16xf32> to vector<1x1x16xf32>
    tpu.vector_store %arg9[%swap3A_84, %swap3A_85, %swap3A_86], %swap3A_89 {strides = array<i32>} : memref<2x8x16xf32, #tpu.memory_space<vmem>>, vector<1x1x16xf32>,
    %swap3A_90 = arith.constant 0 : i32
    %swap3A_91 = arith.constant 5 : i32
    %swap3A_92 = arith.index_cast %swap3A_90 : i32 to index
    %swap3A_93 = arith.index_cast %swap3A_91 : i32 to index
    %swap3A_94 = arith.constant 0 : index
    %swap3A_95 = tpu.vector_load %arg9[%swap3A_92, %swap3A_93, %swap3A_94] {strides = array<i32>} : memref<2x8x16xf32, #tpu.memory_space<vmem>>, vector<1x1x16xf32>,
    %swap3A_96 = vector.shape_cast %swap3A_95 : vector<1x1x16xf32> to vector<16xf32>
    %swap3A_97 = vector.shape_cast %scan3A_9#5 : vector<16xf32> to vector<1x1x16xf32>
    tpu.vector_store %arg9[%swap3A_92, %swap3A_93, %swap3A_94], %swap3A_97 {strides = array<i32>} : memref<2x8x16xf32, #tpu.memory_space<vmem>>, vector<1x1x16xf32>,
    %swap3A_98 = arith.constant 1 : i32
    %swap3A_99 = arith.constant 5 : i32
    %swap3A_100 = arith.index_cast %swap3A_98 : i32 to index
    %swap3A_101 = arith.index_cast %swap3A_99 : i32 to index
    %swap3A_102 = arith.constant 0 : index
    %swap3A_103 = tpu.vector_load %arg9[%swap3A_100, %swap3A_101, %swap3A_102] {strides = array<i32>} : memref<2x8x16xf32, #tpu.memory_space<vmem>>, vector<1x1x16xf32>,
    %swap3A_104 = vector.shape_cast %swap3A_103 : vector<1x1x16xf32> to vector<16xf32>
    %swap3A_105 = vector.shape_cast %scan3A_9#13 : vector<16xf32> to vector<1x1x16xf32>
    tpu.vector_store %arg9[%swap3A_100, %swap3A_101, %swap3A_102], %swap3A_105 {strides = array<i32>} : memref<2x8x16xf32, #tpu.memory_space<vmem>>, vector<1x1x16xf32>,
    %swap3A_106 = arith.constant 0 : i32
    %swap3A_107 = arith.constant 6 : i32
    %swap3A_108 = arith.index_cast %swap3A_106 : i32 to index
    %swap3A_109 = arith.index_cast %swap3A_107 : i32 to index
    %swap3A_110 = arith.constant 0 : index
    %swap3A_111 = tpu.vector_load %arg9[%swap3A_108, %swap3A_109, %swap3A_110] {strides = array<i32>} : memref<2x8x16xf32, #tpu.memory_space<vmem>>, vector<1x1x16xf32>,
    %swap3A_112 = vector.shape_cast %swap3A_111 : vector<1x1x16xf32> to vector<16xf32>
    %swap3A_113 = vector.shape_cast %scan3A_9#6 : vector<16xf32> to vector<1x1x16xf32>
    tpu.vector_store %arg9[%swap3A_108, %swap3A_109, %swap3A_110], %swap3A_113 {strides = array<i32>} : memref<2x8x16xf32, #tpu.memory_space<vmem>>, vector<1x1x16xf32>,
    %swap3A_114 = arith.constant 1 : i32
    %swap3A_115 = arith.constant 6 : i32
    %swap3A_116 = arith.index_cast %swap3A_114 : i32 to index
    %swap3A_117 = arith.index_cast %swap3A_115 : i32 to index
    %swap3A_118 = arith.constant 0 : index
    %swap3A_119 = tpu.vector_load %arg9[%swap3A_116, %swap3A_117, %swap3A_118] {strides = array<i32>} : memref<2x8x16xf32, #tpu.memory_space<vmem>>, vector<1x1x16xf32>,
    %swap3A_120 = vector.shape_cast %swap3A_119 : vector<1x1x16xf32> to vector<16xf32>
    %swap3A_121 = vector.shape_cast %scan3A_9#14 : vector<16xf32> to vector<1x1x16xf32>
    tpu.vector_store %arg9[%swap3A_116, %swap3A_117, %swap3A_118], %swap3A_121 {strides = array<i32>} : memref<2x8x16xf32, #tpu.memory_space<vmem>>, vector<1x1x16xf32>,
    %swap3A_122 = arith.constant 0 : i32
    %swap3A_123 = arith.constant 7 : i32
    %swap3A_124 = arith.index_cast %swap3A_122 : i32 to index
    %swap3A_125 = arith.index_cast %swap3A_123 : i32 to index
    %swap3A_126 = arith.constant 0 : index
    %swap3A_127 = tpu.vector_load %arg9[%swap3A_124, %swap3A_125, %swap3A_126] {strides = array<i32>} : memref<2x8x16xf32, #tpu.memory_space<vmem>>, vector<1x1x16xf32>,
    %swap3A_128 = vector.shape_cast %swap3A_127 : vector<1x1x16xf32> to vector<16xf32>
    %swap3A_129 = vector.shape_cast %scan3A_9#7 : vector<16xf32> to vector<1x1x16xf32>
    tpu.vector_store %arg9[%swap3A_124, %swap3A_125, %swap3A_126], %swap3A_129 {strides = array<i32>} : memref<2x8x16xf32, #tpu.memory_space<vmem>>, vector<1x1x16xf32>,
    %swap3A_130 = arith.constant 1 : i32
    %swap3A_131 = arith.constant 7 : i32
    %swap3A_132 = arith.index_cast %swap3A_130 : i32 to index
    %swap3A_133 = arith.index_cast %swap3A_131 : i32 to index
    %swap3A_134 = arith.constant 0 : index
    %swap3A_135 = tpu.vector_load %arg9[%swap3A_132, %swap3A_133, %swap3A_134] {strides = array<i32>} : memref<2x8x16xf32, #tpu.memory_space<vmem>>, vector<1x1x16xf32>,
    %swap3A_136 = vector.shape_cast %swap3A_135 : vector<1x1x16xf32> to vector<16xf32>
    %swap3A_137 = vector.shape_cast %scan3A_9#15 : vector<16xf32> to vector<1x1x16xf32>
    tpu.vector_store %arg9[%swap3A_132, %swap3A_133, %swap3A_134], %swap3A_137 {strides = array<i32>} : memref<2x8x16xf32, #tpu.memory_space<vmem>>, vector<1x1x16xf32>,
    "tpu.region"() ({
      %run_scoped3A = tpu.sem_alloc : memref<!tpu.dma_semaphore, #tpu.memory_space<semaphore_mem>>
      %dma_start3A = arith.constant 0 : i32
      %dma_start3A_138 = tpu.memref_slice %arg3[%dma_start3A, %mul3A_2] : memref<2x32768xf32, #tpu.memory_space<hbm>> -> memref<2x1024xf32, #tpu.memory_space<hbm>>
      %dma_start3A_139 = arith.constant 0 : i32
      %dma_start3A_140 = tpu.memref_slice %arg3[%dma_start3A_139, %mul3A_2] : memref<2x32768xf32, #tpu.memory_space<hbm>> -> memref<2x1024xf32, #tpu.memory_space<hbm>>
      tpu.enqueue_dma source(%arg7 : memref<2x1024xf32, #tpu.memory_space<vmem>>) target(%dma_start3A_140 : memref<2x1024xf32, #tpu.memory_space<hbm>>) target_semaphore(%run_scoped3A : memref<!tpu.dma_semaphore, #tpu.memory_space<semaphore_mem>>)
      %dma_wait3A = arith.constant 0 : i32
      %dma_wait3A_141 = tpu.memref_slice %arg3[%dma_wait3A, %mul3A_2] : memref<2x32768xf32, #tpu.memory_space<hbm>> -> memref<2x1024xf32, #tpu.memory_space<hbm>>
      %dma_wait3A_142 = arith.constant 0 : i32
      %dma_wait3A_143 = tpu.memref_slice %arg3[%dma_wait3A_142, %mul3A_2] : memref<2x32768xf32, #tpu.memory_space<hbm>> -> memref<2x1024xf32, #tpu.memory_space<hbm>>
      tpu.wait_dma2 semaphore(%run_scoped3A : memref<!tpu.dma_semaphore, #tpu.memory_space<semaphore_mem>>) src(%arg7 : memref<2x1024xf32, #tpu.memory_space<vmem>>) dst(%dma_wait3A_143 : memref<2x1024xf32, #tpu.memory_space<hbm>>)
      tpu.yield
    }) : () -> ()
    "tpu.region"() ({
      %run_scoped3A = tpu.sem_alloc : memref<!tpu.dma_semaphore, #tpu.memory_space<semaphore_mem>>
      %dma_start3A = arith.constant 0 : i32
      %dma_start3A_138 = tpu.memref_slice %arg4[%dma_start3A, %mul3A_2] : memref<2x32768xi32, #tpu.memory_space<hbm>> -> memref<2x1024xi32, #tpu.memory_space<hbm>>
      %dma_start3A_139 = arith.constant 0 : i32
      %dma_start3A_140 = tpu.memref_slice %arg4[%dma_start3A_139, %mul3A_2] : memref<2x32768xi32, #tpu.memory_space<hbm>> -> memref<2x1024xi32, #tpu.memory_space<hbm>>
      tpu.enqueue_dma source(%arg8 : memref<2x1024xi32, #tpu.memory_space<vmem>>) target(%dma_start3A_140 : memref<2x1024xi32, #tpu.memory_space<hbm>>) target_semaphore(%run_scoped3A : memref<!tpu.dma_semaphore, #tpu.memory_space<semaphore_mem>>)
      %dma_wait3A = arith.constant 0 : i32
      %dma_wait3A_141 = tpu.memref_slice %arg4[%dma_wait3A, %mul3A_2] : memref<2x32768xi32, #tpu.memory_space<hbm>> -> memref<2x1024xi32, #tpu.memory_space<hbm>>
      %dma_wait3A_142 = arith.constant 0 : i32
      %dma_wait3A_143 = tpu.memref_slice %arg4[%dma_wait3A_142, %mul3A_2] : memref<2x32768xi32, #tpu.memory_space<hbm>> -> memref<2x1024xi32, #tpu.memory_space<hbm>>
      tpu.wait_dma2 semaphore(%run_scoped3A : memref<!tpu.dma_semaphore, #tpu.memory_space<semaphore_mem>>) src(%arg8 : memref<2x1024xi32, #tpu.memory_space<vmem>>) dst(%dma_wait3A_143 : memref<2x1024xi32, #tpu.memory_space<hbm>>)
      tpu.yield
    }) : () -> ()
    "tpu.region"() ({
      %run_scoped3A = tpu.sem_alloc : memref<!tpu.dma_semaphore, #tpu.memory_space<semaphore_mem>>
      %dma_start3A = arith.constant 0 : i32
      %dma_start3A_138 = arith.constant 0 : i32
      %dma_start3A_139 = arith.constant 0 : i32
      %dma_start3A_140 = tpu.memref_slice %arg5[%add3A, %dma_start3A, %dma_start3A_138, %dma_start3A_139] : memref<32x2x8x16xf32, #tpu.memory_space<hbm>> -> memref<1x2x8x16xf32, #tpu.memory_space<hbm>>
      %dma_start3A_141 = tpu.memref_squeeze %dma_start3A_140 : memref<1x2x8x16xf32, #tpu.memory_space<hbm>> -> memref<2x8x16xf32, #tpu.memory_space<hbm>>
      %dma_start3A_142 = arith.constant 0 : i32
      %dma_start3A_143 = arith.constant 0 : i32
      %dma_start3A_144 = arith.constant 0 : i32
      %dma_start3A_145 = tpu.memref_slice %arg5[%add3A, %dma_start3A_142, %dma_start3A_143, %dma_start3A_144] : memref<32x2x8x16xf32, #tpu.memory_space<hbm>> -> memref<1x2x8x16xf32, #tpu.memory_space<hbm>>
      %dma_start3A_146 = tpu.memref_squeeze %dma_start3A_145 : memref<1x2x8x16xf32, #tpu.memory_space<hbm>> -> memref<2x8x16xf32, #tpu.memory_space<hbm>>
      tpu.enqueue_dma source(%arg9 : memref<2x8x16xf32, #tpu.memory_space<vmem>>) target(%dma_start3A_146 : memref<2x8x16xf32, #tpu.memory_space<hbm>>) target_semaphore(%run_scoped3A : memref<!tpu.dma_semaphore, #tpu.memory_space<semaphore_mem>>)
      %dma_wait3A = arith.constant 0 : i32
      %dma_wait3A_147 = arith.constant 0 : i32
      %dma_wait3A_148 = arith.constant 0 : i32
      %dma_wait3A_149 = tpu.memref_slice %arg5[%add3A, %dma_wait3A, %dma_wait3A_147, %dma_wait3A_148] : memref<32x2x8x16xf32, #tpu.memory_space<hbm>> -> memref<1x2x8x16xf32, #tpu.memory_space<hbm>>
      %dma_wait3A_150 = tpu.memref_squeeze %dma_wait3A_149 : memref<1x2x8x16xf32, #tpu.memory_space<hbm>> -> memref<2x8x16xf32, #tpu.memory_space<hbm>>
      %dma_wait3A_151 = arith.constant 0 : i32
      %dma_wait3A_152 = arith.constant 0 : i32
      %dma_wait3A_153 = arith.constant 0 : i32
      %dma_wait3A_154 = tpu.memref_slice %arg5[%add3A, %dma_wait3A_151, %dma_wait3A_152, %dma_wait3A_153] : memref<32x2x8x16xf32, #tpu.memory_space<hbm>> -> memref<1x2x8x16xf32, #tpu.memory_space<hbm>>
      %dma_wait3A_155 = tpu.memref_squeeze %dma_wait3A_154 : memref<1x2x8x16xf32, #tpu.memory_space<hbm>> -> memref<2x8x16xf32, #tpu.memory_space<hbm>>
      tpu.wait_dma2 semaphore(%run_scoped3A : memref<!tpu.dma_semaphore, #tpu.memory_space<semaphore_mem>>) src(%arg9 : memref<2x8x16xf32, #tpu.memory_space<vmem>>) dst(%dma_wait3A_155 : memref<2x8x16xf32, #tpu.memory_space<hbm>>)
      tpu.yield
    }) : () -> ()
    return
  }
}

module attributes {stable_mosaic.version = 14 : i64} {
  func.func @_matmul_block(%arg0: i32, %arg1: memref<4096x768xf32, #tpu.memory_space<vmem>>, %arg2: memref<8x768xf32, #tpu.memory_space<vmem>>, %arg3: memref<8x4096xf32, #tpu.memory_space<vmem>>) attributes {dimension_semantics = [#tpu.dimension_semantics<arbitrary>], iteration_bounds = array<i64: 8>, scalar_prefetch = 0 : i64, scratch_operands = 0 : i64, tpu.core_type = #tpu.core_type<tc>, window_params = [{transform_indices = @transform_0, window_bounds = array<i64: 4096, 768>}, {pipeline_mode = #tpu.pipeline_mode<synchronous>, transform_indices = @transform_1, window_bounds = array<i64: 8, 768>}, {transform_indices = @transform_2, window_bounds = array<i64: 8, 4096>}]} {
    %get3A = arith.constant 0 : index
    %get3A_0 = arith.constant 0 : index
    %get3A_1 = vector.load %arg2[%get3A, %get3A_0] : memref<8x768xf32, #tpu.memory_space<vmem>>, vector<8x768xf32>
    %get3A_2 = arith.constant 0 : index
    %get3A_3 = arith.constant 0 : index
    %get3A_4 = vector.load %arg1[%get3A_2, %get3A_3] : memref<4096x768xf32, #tpu.memory_space<vmem>>, vector<4096x768xf32>
    %dot_general3A = arith.constant dense<0.000000e+00> : vector<8x4096xf32>
    %dot_general3A_5 = tpu.matmul %get3A_1, %get3A_4, %dot_general3A {dimension_numbers = #tpu.dot_dimension_numbers<[1], [1], [0], [0], [0, 0, 1, 0], [], []>, transpose_lhs_hint = false} : vector<8x768xf32>, vector<4096x768xf32>, vector<8x4096xf32> -> vector<8x4096xf32>
    %swap3A = arith.constant 0 : index
    %swap3A_6 = arith.constant 0 : index
    %swap3A_7 = vector.load %arg3[%swap3A, %swap3A_6] : memref<8x4096xf32, #tpu.memory_space<vmem>>, vector<8x4096xf32>
    tpu.vector_store %arg3[%swap3A, %swap3A_6], %dot_general3A_5 {strides = array<i32>} : memref<8x4096xf32, #tpu.memory_space<vmem>>, vector<8x4096xf32>,
    return
  }
  func.func @transform_0(%arg0: i32) -> (i32, i32) {
    %c0_i32 = arith.constant 0 : i32
    %c0_i32_0 = arith.constant 0 : i32
    return %arg0, %c0_i32 : i32, i32
  }
  func.func @transform_1(%arg0: i32) -> (i32, i32) {
    %c0_i32 = arith.constant 0 : i32
    %c0_i32_0 = arith.constant 0 : i32
    %c0_i32_1 = arith.constant 0 : i32
    return %c0_i32, %c0_i32_0 : i32, i32
  }
  func.func @transform_2(%arg0: i32) -> (i32, i32) {
    %c0_i32 = arith.constant 0 : i32
    %c0_i32_0 = arith.constant 0 : i32
    return %c0_i32, %arg0 : i32, i32
  }
}

</mosaic_0001>

<sc_bundles>
// kernel: kernel.4.cloned.1.call-start
scs
__scs_entry_jumppad:
0x0: {  	(pc) =	sbr.rel $0x88, $3  }
0x1: {  	(tag) =	ssettag $0x0;
	lr =	simm.s32 $0x1  }
0x2: {  	[smem:$0x3F9F] =	sst lr;
	_ =	strace $0xD0000000  }
0x3: {  	_ = 	snop  }
0x4: {  	_ = 	snop  }
0x5: {  	_ = 	snop  }
0x6: {  	_ = 	snop  }
0x7: {  	_ = 	snop  }
__scs_overlays_trampoline_lowered:
0x8: {  	[smem:$0x3FAE] =	sst s0  }
0x9: {  	[smem:$0x3FAF] =	sst s1  }
0xa: {  	[smem:$0x3FB0] =	sst s2  }
0xb: {  	[smem:$0x3FB1] =	sst s3  }
0xc: {  	[smem:$0x3FB2] =	sst s4  }
0xd: {  	[smem:$0x3FB3] =	sst s5  }
0xe: {  	[smem:$0x3FB4] =	sst s6  }
0xf: {  	[smem:$0x3FB5] =	sst s7  }
0x10: {  	[smem:$0x3FB6] =	sst s8  }
0x11: {  	[smem:$0x3FB7] =	sst s9;
	s0 =	simm.s32 @!p0 $0x0  }
0x12: {  	s1 =	sld [smem:$0x3F9D];
	s0 =	simm.s32 @p0 $0x1  }
0x13: {  	[smem:$0x3FB8] =	sst s0;
	s0 =	simm.s32 @!p1 $0x0  }
0x14: {  	s2 =	sld [smem:$0x3F9C];
	s0 =	simm.s32 @p1 $0x1  }
0x15: {  	[smem:$0x3FB9] =	sst s0;
	s0 =	simm.s32 @!p2 $0x0  }
0x16: {  	s3 =	sld [smem:$0x3FDB];
	s0 =	simm.s32 @p2 $0x1  }
0x17: {  	s4 =	simm.s32 $0x1BF5;
	[smem:$0x3FBB] =	sst s0  }
0x18: {  	s0 =	sld [smem:$0x3F9E];
	_ =	swait.ge [sflag:s4], $0x0  }
0x19: {  	s7 =	sld [smem:$0x3F9F]  }
0x1a: {  	s8 =	sadd.s32 $0xFFFFE003, lr  }
0x1b: {  	s9 =	sadd.s32 $0xFFFFFEF7, lr;
	s5 =	simm.s32 $0xFFFFFFFF;
	p2 =	slt.u32 s8, $0xFFFFF086  }
0x1c: {  	p1 =	slt.u32 s9, $0xF7A;
	s5 =	simm.s32 @!p2 $0x0  }
0x1d: {  	s5 =	simm.s32 @p1 $0x1;
	p0 =	seq.s32 s7, s2  }
0x1e: {  	s7 =	smul.u32 @!p0 $0xF7A, s2;
	p2 =	seq.s32 @!p0 s5, $0x0  }
0x1f: {  	s9 =	smul.u32 $0xF7A, s1;
	s8 =	simm.s32 @!p0 $0x1BF5;
	p2 =	por !p2, p0  }
0x20: {  	[sflag:s8] =	ssyncset.s32 @!p0 $0xFFFFF086;
	s6 =	sadd.s32 @!p0 s3, s7;
	s7 =	simm.s32 @!p0 $0x108  }
0x21: {  	s3 =	sadd.s32 s3, s9;
	s6 =	sadd.s32 @!p0 $0x88, s6;
	s7 =	simm.s32 @p2 $0x1082  }
0x22: {  	[simem:s7], [sflag:s8] =	dma.local @!p0 [hbm:s6], $0xF7A  }
0x23: {  	s9 =	sor.u32 $0xD0000000, s2;
	s6 =	simm.s32 $0x108;
	_ =	swait.ge @!p0 [sflag:s8], $0x0  }
0x24: {  	s3 =	sadd.s32 $0x88, s3;
	s6 =	simm.s32 @!p1 $0x1082;
	[sflag:s4] =	ssyncset.s32 $0xFFFFF086  }
0x25: {  	[simem:s6], [sflag:s4] =	dma.local [hbm:s3], $0xF7A  }
0x26: {  	[smem:$0x3F9F] =	sst s1;
	(tag) =	ssettag s2;
	_ =	strace s9  }
0x27: {  	s1 =	sld [smem:$0x3FAF]  }
0x28: {  	s2 =	sld [smem:$0x3FB0]  }
0x29: {  	s4 =	sld [smem:$0x3FB2]  }
0x2a: {  	p0 =	seq.s32 s5, $0x0;
	s5 =	sld [smem:$0x3FB3]  }
0x2b: {  	s6 =	sld [smem:$0x3FB4]  }
0x2c: {  	s7 =	sld [smem:$0x3FB5]  }
0x2d: {  	s3 =	simm.s32 $0x108;
	s8 =	sld [smem:$0x3FB6]  }
0x2e: {  	s3 =	simm.s32 @!p0 $0x1082;
	s9 =	sld [smem:$0x3FB7]  }
0x2f: {  	lr =	sadd.s32 s0, s3;
	s0 =	sld [smem:$0x3FAE]  }
0x30: {  	s3 =	sld [smem:$0x3FB1]  }
0x31: {  	[smem:$0x3FBA] =	sst s10  }
0x32: {  	s10 =	sld [smem:$0x3FB8];
	_ =	sdelay $0x3  }
0x33: {  	p0 =	seq.s32 s10, $0x1;
	s10 =	sld [smem:$0x3FBA];
	_ =	sdelay $0x3  }
0x34: {  	[smem:$0x3FBA] =	sst s10  }
0x35: {  	s10 =	sld [smem:$0x3FB9];
	_ =	sdelay $0x3  }
0x36: {  	p1 =	seq.s32 s10, $0x1;
	s10 =	sld [smem:$0x3FBA];
	_ =	sdelay $0x3  }
0x37: {  	[smem:$0x3FBA] =	sst s10  }
0x38: {  	s10 =	sld [smem:$0x3FBB]  }
0x39: {  	_ = 	snop;
	(pc) =	sbr.ind lr, $3  }
0x3a: {  	_ = 	snop  }
0x3b: {  	_ = 	snop  }
0x3c: {  	p2 =	seq.s32 s10, $0x1;
	s10 =	sld [smem:$0x3FBA]  }
0x3d: {  	_ =	shalt  }
0x3e: {  	_ =	shalt  }
0x3f: {  	_ =	shalt  }
0x40: {  	_ =	shalt  }
0x41: {  	_ =	shalt  }
0x42: {  	_ =	shalt  }
0x43: {  	_ =	shalt  }
0x44: {  	_ =	shalt  }
0x45: {  	_ =	shalt  }
0x46: {  	_ =	shalt  }
0x47: {  	_ =	shalt  }
0x48: {  	_ =	shalt  }
0x49: {  	_ =	shalt  }
0x4a: {  	_ =	shalt  }
0x4b: {  	_ =	shalt  }
0x4c: {  	_ =	shalt  }
0x4d: {  	_ =	shalt  }
0x4e: {  	_ =	shalt  }
0x4f: {  	_ =	shalt  }
0x50: {  	_ =	shalt  }
0x51: {  	_ =	shalt  }
0x52: {  	_ =	shalt  }
0x53: {  	_ =	shalt  }
0x54: {  	_ =	shalt  }
0x55: {  	_ =	shalt  }
0x56: {  	_ =	shalt  }
0x57: {  	_ =	shalt  }
0x58: {  	_ =	shalt  }
0x59: {  	_ =	shalt  }
0x5a: {  	_ =	shalt  }
0x5b: {  	_ =	shalt  }
0x5c: {  	_ =	shalt  }
0x5d: {  	_ =	shalt  }
0x5e: {  	_ =	shalt  }
0x5f: {  	_ =	shalt  }
0x60: {  	_ =	shalt  }
0x61: {  	_ =	shalt  }
0x62: {  	_ =	shalt  }
0x63: {  	_ =	shalt  }
0x64: {  	_ =	shalt  }
0x65: {  	_ =	shalt  }
0x66: {  	_ =	shalt  }
0x67: {  	_ =	shalt  }
0x68: {  	_ =	shalt  }
0x69: {  	_ =	shalt  }
0x6a: {  	_ =	shalt  }
0x6b: {  	_ =	shalt  }
0x6c: {  	_ =	shalt  }
0x6d: {  	_ =	shalt  }
0x6e: {  	_ =	shalt  }
0x6f: {  	_ =	shalt  }
0x70: {  	_ =	shalt  }
0x71: {  	_ =	shalt  }
0x72: {  	_ =	shalt  }
0x73: {  	_ =	shalt  }
0x74: {  	_ =	shalt  }
0x75: {  	_ =	shalt  }
0x76: {  	_ =	shalt  }
0x77: {  	_ =	shalt  }
0x78: {  	_ =	shalt  }
0x79: {  	_ =	shalt  }
0x7a: {  	_ =	shalt  }
0x7b: {  	_ =	shalt  }
0x7c: {  	_ =	shalt  }
0x7d: {  	_ =	shalt  }
0x7e: {  	_ =	shalt  }
0x7f: {  	_ =	shalt  }
0x80: {  	_ =	shalt  }
0x81: {  	_ =	shalt  }
0x82: {  	_ =	shalt  }
0x83: {  	_ =	shalt  }
0x84: {  	_ =	shalt  }
0x85: {  	_ =	shalt  }
0x86: {  	_ =	shalt  }
0x87: {  	_ =	shalt  }
.Lfunc_end0:
.L_simem_size_0:
called_computation_lowered:
.L_overlay_start_0:
0x88: {  	s2 =	sld [smem:$0x3FD9]  }
0x89: {  	s3 =	sld [smem:$0x3FFE];
	_ =	sdelay $0x1  }
0x8a: {  	s1 =	srdreg.scid  }
0x8b: {  	s0 =	sand.u32 $0x1, s1  }
0x8c: {  	s14 =	sshll.u32 s0, $0xA;
	s2 =	sadd.s32 s3, s2  }
0x8d: {  	s2 =	sadd.s32 s2, s14  }
0x8e: {  	[smem:$0x3FC6] =	sst s2  }
0x8f: {  	_ = 	snop  }
0x90: {  	s2 =	sld [smem:$0x3FD0];
	_ =	sdelay $0x2  }
0x91: {  	s15 =	simm.s32 $0xA;
	s4 =	simm.s32 $0x10  }
0x92: {  	[smem:s4], [sflag:s15] =	dma.local [hbm:s2], $0x1  }
0x93: {  	_ =	swait.eq [sflag:s15], $0x1  }
0x94: {  	[sflag:s15] =	ssyncset.done $0x0  }
0x95: {  	s16 =	sld [smem:$0x10];
	[sflag:s15] =	ssyncadd.s32 $0xFFFFFFFF  }
0x96: {  	s17 =	sld [smem:$0x11];
	(tm) =	ssettm $0x1  }
0x97: {  	s18 =	sld [smem:$0x3FFB];
	_ =	sdelay $0x3  }
0x98: {  	_ =	strace s18  }
0x99: {  	s4 =	sld [smem:$0x3FFC];
	_ =	sdelay $0x3  }
0x9a: {  	_ =	strace s4  }
0x9b: {  	s4 =	sld [smem:$0x3FFD];
	_ =	sdelay $0x3  }
0x9c: {  	_ =	strace s4  }
0x9d: {  	_ =	strace $0x8FFFFFFF  }
0x9e: {  	s19 =	sld [smem:$0x3FDB];
	_ =	sdelay $0x1  }
0x9f: {  	s5 =	simm.s32 $_scs_section_size  }
0xa0: {  	s6 =	simm.s32 $_size__tile_overlayer_lowered;
	s7 =	simm.s32 $_tile_overlayer_lowered  }
0xa1: {  	s22 =	simm.s32 $0x1BFF;
	s21 =	sshll.u32 s7, $0x1;
	s4 =	sadd.s32 s5, s19  }
0xa2: {  	s8 =	simm.s32 $0x0;
	s20 =	sshll.u32 s6, $0x1;
	s6 =	sadd.s32 s21, s4  }
0xa3: {  	[timem:s8], [sflag:s22] =	dma.local [hbm:s6], s20  }
0xa4: {  	_ =	swait.ge [sflag:s22], s20  }
0xa5: {  	s5 =	ssub.s32 $0x0, s20;
	[sflag:s22] =	ssyncset.done $0x0  }
0xa6: {  	[sflag:s22] =	ssyncadd.s32 s5;
	_ =	sdelay $0x1  }
0xa7: {  	s23 =	simm.s32 $0x1B8B  }
0xa8: {  	_ =	swait.ge [sflag:s23], $0x1  }
0xa9: {  	[sflag:s23] =	ssyncset.done $0x0  }
0xaa: {  	s25 =	simm.s32 $0x1B8E;
	s24 =	sld [smem:$0x3FFE];
	[sflag:s23] =	ssyncadd.s32 $0xFFFFFFFF  }
0xab: {  	s26 =	simm.s32 $execute0_lowered;
	[smem:$0x3FD2] =	sst s25  }
0xac: {  	s6 =	sshll.u32 s26, $0x1;
	_ =	strace $0x80000046;
	[dreg:$0x1] =	wrdreg $0xFFFFFFFF  }
0xad: {  	s28 =	simm.s32 $_size_execute0_lowered;
	s4 =	sadd.s32 s4, s6;
	[dreg:$0x0] =	wrdreg $0x0  }
0xae: {  	s6 =	sshll.u32 s28, $0x1;
	[dreg:$0x2] =	wrdreg s4  }
0xaf: {  	[dreg:$0x3] =	wrdreg s6  }
0xb0: {  	[dreg:$0x4] =	wrdreg $0xC0  }
0xb1: {  	_ =	task [dreg:s8], $0x5FFFF  }
0xb2: {  	[dreg:$0x1] =	wrdreg $0xFFFFFFFF  }
0xb3: {  	[dreg:$0x0] =	wrdreg $0x60  }
0xb4: {  	[dreg:$0x2] =	wrdreg s24  }
0xb5: {  	[dreg:$0x3] =	wrdreg s16  }
0xb6: {  	[dreg:$0x4] =	wrdreg s17  }
0xb7: {  	[dreg:$0x5] =	wrdreg $0x9  }
0xb8: {  	_ =	task.clear_ibuf [dreg:s8], $0x6FFFF;
	_ =	strace $0x90000046  }
0xb9: {  	s29 =	simm.s32 $0x9;
	_ =	strace $0x80000048  }
0xba: {  	_ =	swait.ge [sflag:s29], $0x1  }
0xbb: {  	[sflag:s29] =	ssyncadd.s32 $0xFFFFFFFF  }
0xbc: {  	_ =	strace $0x90000048  }
0xbd: {  	_ =	sfence  }
0xbe: {  	s30 =	sld [smem:$0x0];
	_ =	sdelay $0x2  }
0xbf: {  	s31 =	sshll.u32 s1, $0xD;
	s1 =	sshrl.u32 s1, $0x2  }
0xc0: {  	s3 =	sand.u32 $0x4000, s31;
	s1 =	sadd.s32 s1, s30  }
0xc1: {  	s0 =	sor.u32 s3, s0;
	s1 =	sshll.u32 s1, $0x11  }
0xc2: {  	s0 =	sor.u32 s1, s0  }
0xc3: {  	s0 =	sadd.s32 $0x8F2B, s0  }
0xc4: {  	[sflag:s0] =	ssyncadd.remote.s32 $0x1  }
0xc5: {  	_ =	sfence.sel $0xFFFF  }
0xc6: {  	[dreg:$0x0] =	wrdreg $0xFFFFFFFF;
	(pc) =	sbr.abs _section_cstart, $3  }
0xc7: {  	[dreg:$0x1] =	wrdreg $0xFFFFFFFF  }
0xc8: {  	_ =	task.clear_ibuf [dreg:s8], $0x2FFFF;
	_ =	strace $0x9FFFFFFF  }
0xc9: {  	(tm) =	ssettm $0x7FFFFFFF  }
tec
execute0_lowered:
.L_overlay_start_1:
0x0: {  	(tag) =	ssettag $0x1  }
0x1: {  	s3 =	rddreg [dreg:$0x0]  }
0x2: {  	s4 =	rddreg [dreg:$0x1]  }
0x3: {  	s5 =	rddreg [dreg:$0x2]  }
0x4: {  	s0 =	rddreg [dreg:$0x3]  }
0x5: {  	s2 =	simm.s32 $0x0;
	s6 =	srdreg.scid;
	s1 =	stileid.u32  }
0x6: {  	s11 =	simm.s32 $0x3000;
	s6 =	sand.u32 $0x1, s6;
	s7 =	sshll.u32 s1, $0x1  }
0x7: {  	s12 =	simm.s32 $0x0;
	[smem:$0x7FF] =	sst s2;
	s7 =	sor.u32 s6, s7  }
0x8: {  	_ =	strace $0x80000047;
	s6 =	ssub.s32 $0x2, s6;
	s8 =	sshll.u32 s7, $0x8  }
0x9: {  	s9 =	sshrl.u32 s6, $0x1;
	s7 =	sshll.u32 s7, $0xA;
	s10 =	sadd.s32 s8, s3  }
0xa: {  	s9 =	ssub.s32 s6, s9;
	s3 =	sadd.s32 s3, s7;
	s4 =	sadd.s32 s4, s8  }
0xb: {  	s5 =	sadd.s32 s5, s8;
	s8 =	simm.s32 $0x1;
	s6 =	sadd.s32 $0x8000, s10  }
0xc: {  	v0 =	vimm.s32 $0x7;
	v1 =	vimm.f32 $1.000000000e+00;
	v2 =	vimm.f32 $0.0e+00;
	s7 =	smax.u32 s9, $0x1;
	s9 =	simm.s32 $0x2000;
	s10 =	simm.s32 $0x2800  }
.LBB2_1:
0xd: {  	[tilespmem:s2], [sflag:$0x1] =	stream.linear.gather [hbm4b:s3+s2], $0x2000, $0x38;
	[tilespmem:$0x3800] =	vst v63  }
0xe: {  	s14 =	simm.s32 $0x0;
	_ =	swait.ge [sflag:s8], $0x2000  }
0xf: {  	s13 =	sand.u32 $0x70, s2;
	s14 =	sand.u32 $0x3FFFFC00, s14;
	[sflag:s8] =	ssyncset.done $0x0  }
0x10: {  	s14 =	sor.u32 s13, s14;
	[sflag:s8] =	ssyncadd.s32 $0xFFFFE000  }
0x11: {  	v3 =	vld [tilespmem:s14+$0x0]  }
0x12: {  	v4 =	vld [tilespmem:s14+$0x80]  }
0x13: {  	v5 =	vld [tilespmem:s14+$0x100]  }
0x14: {  	v6 =	vld [tilespmem:s14+$0x180]  }
0x15: {  	v7 =	vld [tilespmem:s14+$0x200]  }
0x16: {  	v8 =	vld [tilespmem:s14+$0x280]  }
0x17: {  	v9 =	vld [tilespmem:s14+$0x300];
	v10 =	vmax.f32 v3, v4  }
0x18: {  	v11 =	vld [tilespmem:s14+$0x380];
	v10 =	vmax.f32 v10, v5  }
0x19: {  	v10 =	vmax.f32 v10, v6  }
0x1a: {  	v10 =	vmax.f32 v10, v7  }
0x1b: {  	v10 =	vmax.f32 v10, v8  }
0x1c: {  	v10 =	vmax.f32 v10, v9  }
0x1d: {  	v10 =	vmax.f32 v10, v11  }
0x1e: {  	vm0 =	veq.f32 v9, v10;
	vm1 =	veq.f32 v6, v10  }
0x1f: {  	v12 =	vsub.f32 v6, v10;
	vm2 =	vne.f32 v3, v10;
	v16 =	vsub.f32 v5, v10  }
0x20: {  	v13 =	vsel vm0, $0x6, v0;
	vm0 =	veq.f32 v8, v10;
	v14 =	vnsel vm2, $0xFF800000, v3  }
0x21: {  	v3 =	vsub.f32 v3, v10;
	v13 =	vsel vm0, $0x5, v13;
	vm0 =	veq.f32 v7, v10  }
0x22: {  	v17 =	vsub.f32 v4, v10;
	v15 =	vsel vm2, $0x0, v1;
	v13 =	vsel vm0, $0x4, v13  }
0x23: {  	vm0 =	veq.f32 v5, v10;
	v3 =	vmul.f32 $1.442695020e+00, v3;
	v13 =	vsel vm1, $0x3, v13  }
0x24: {  	v17 =	vmul.f32 $1.442695020e+00, v17;
	v13 =	vsel vm0, $0x2, v13;
	vm0 =	veq.f32 v4, v10  }
0x25: {  	v16 =	vmul.f32 $1.442695020e+00, v16;
	(erf) = vpow2.f32 v3;
	v13 =	vsel vm0, $0x1, v13  }
0x26: {  	v12 =	vmul.f32 $1.442695020e+00, v12;
	(erf) = vpow2.f32 v17;
	v13 =	vnsel vm2, $0x0, v13  }
0x27: {  	vm2 =	vmand vm2, vm0;
	(erf) = vpow2.f32 v16;
	v16 =	vadd.f32 v15, v2  }
0x28: {  	vm0 =	veq.s32 v13, $0x2;
	vm1 =	veq.s32 v13, $0x3;
	v4 =	vsel vm2, $0xFF800000, v4  }
0x29: {  	v20 =	vsel vm2, $0x3F800000, v2;
	vm3 =	veq.s32 v13, $0x4;
	vm5 =	veq.s32 v13, $0x5  }
0x2a: {  	vm2 =	veq.s32 v13, $0x6;
	vm8 =	veq.s32 v13, $0x7;
	(erf) = vpow2.f32 v12  }
0x2b: {  	v5 =	vsel vm0, $0xFF800000, v5;
	v18 =	vmax.f32 v14, v4;
	v19 =	vsel vm3, $0xFF800000, v7  }
0x2c: {  	s31 =	simm.s32 $0x0;
	v6 =	vsel vm1, $0xFF800000, v6;
	v7 =	vsub.f32 v7, v10;
	v18 =	vmax.f32 v18, v5  }
0x2d: {  	s14 =	sand.u32 $0xFFFFFF00, s31;
	v22 =	vsel vm5, $0xFF800000, v8;
	v8 =	vsub.f32 v8, v10;
	v18 =	vmax.f32 v18, v6  }
0x2e: {  	s15 =	sor.u32 s13, s14;
	v7 =	vmul.f32 $1.442695020e+00, v7;
	v3 =	vmax.f32 v18, v19;
	v18 =	vsub.f32 v9, v10  }
0x2f: {  	[tilespmem:s15+$0x2800] =	vst v13;
	v13 =	vimm.f32 $0.0e+00;
	v9 =	vsel vm2, $0xFF800000, v9;
	v3 =	vmax.f32 v3, v22  }
0x30: {  	v8 =	vmul.f32 $1.442695020e+00, v8;
	(erf) = vpow2.f32 v7;
	v3 =	vmax.f32 v3, v9  }
0x31: {  	v7 =	vadd.f32 v20, v2;
	v12 =	vmul.f32 $1.442695020e+00, v18;
	v17 =	vmax.f32 v3, v11  }
0x32: {  	v3 =	vsel vm8, v3, v17;
	v18 =	vpop (erf);
	(erf) = vpow2.f32 v8;
	v8 =	vsel vm3, $0x3F800000, v2  }
0x33: {  	vm4 =	veq.f32 v9, v3;
	vm6 =	veq.f32 v6, v3;
	v6 =	vsub.f32 v3, v10  }
0x34: {  	vm9 =	veq.f32 v19, v3;
	vm7 =	veq.f32 v5, v3;
	vm10 =	veq.f32 v4, v3  }
0x35: {  	v4 =	vsel vm5, $0x3F800000, v2;
	v9 =	vsel vm4, $0x6, v0;
	v5 =	vmul.f32 $1.442695020e+00, v6  }
0x36: {  	vm4 =	vne.f32 v14, v3;
	v4 =	vadd.f32 v4, v2;
	v6 =	vsub.f32 v11, v10  }
0x37: {  	v19 =	vpop (erf);
	v14 =	vimm.f32 $0.0e+00;
	v10 =	vsel vm8, $0x3F800000, v2;
	(erf) = vpow2.f32 v5  }
0x38: {  	v5 =	vmul.f32 $1.442695020e+00, v6;
	v6 =	vadd.f32 v19, v18;
	(erf) = vpow2.f32 v12  }
0x39: {  	v21 =	vpop (erf);
	v11 =	vsel vm1, $0x3F800000, v2;
	vm1 =	veq.f32 v22, v3;
	v3 =	vsel vm2, $0x3F800000, v2  }
0x3a: {  	v27 =	vsel vm4, $0x0, v1;
	v6 =	vadd.f32 v6, v21;
	(erf) = vpow2.f32 v5  }
0x3b: {  	v22 =	vpop (erf);
	v20 =	vadd.f32 v11, v2;
	v17 =	vadd.f32 v3, v2;
	v5 =	vsel vm1, $0x5, v9  }
0x3c: {  	v15 =	vadd.f32 v10, v2;
	v5 =	vsel vm9, $0x4, v5;
	v6 =	vadd.f32 v6, v22  }
0x3d: {  	v23 =	vpop (erf);
	v12 =	vimm.f32 $0.0e+00;
	vm1 =	vmand vm4, vm10;
	v5 =	vsel vm6, $0x3, v5  }
0x3e: {  	v9 =	vsel vm1, $0x3F800000, v2;
	v5 =	vsel vm7, $0x2, v5;
	v11 =	vadd.f32 v6, v23  }
0x3f: {  	v24 =	vpop (erf);
	v6 =	vadd.f32 v9, v7;
	v7 =	vadd.f32 v8, v2;
	v3 =	vsel vm10, $0x1, v5  }
0x40: {  	v9 =	vimm.f32 $0.0e+00;
	v3 =	vnsel vm4, $0x0, v3;
	v5 =	vadd.f32 v11, v24;
	v29 =	vpop (erf)  }
0x41: {  	vm4 =	veq.s32 v3, $0x2;
	vm1 =	veq.s32 v3, $0x3;
	v8 =	vadd.f32 $1.000000000e+00, v29;
	v25 =	vpop (erf)  }
0x42: {  	vm2 =	veq.s32 v3, $0x4;
	vm3 =	veq.s32 v3, $0x5;
	v5 =	vadd.f32 v5, v25  }
0x43: {  	v28 =	vsel vm4, $0x3F800000, v2;
	v26 =	vpop (erf);
	(erf) = vrcp.f32 v8;
	v8 =	vsel vm2, $0x3F800000, v2  }
0x44: {  	vm2 =	veq.s32 v3, $0x6;
	v5 =	vadd.f32 v5, v26;
	v11 =	vadd.f32 v8, v7  }
0x45: {  	v7 =	vsel vm3, $0x3F800000, v2;
	vm3 =	veq.s32 v3, $0x7;
	v8 =	vimm.f32 $0.0e+00  }
0x46: {  	[tilespmem:s15+$0x2880] =	vst v3;
	v3 =	vimm.f32 $0.0e+00;
	v10 =	vadd.f32 v7, v4;
	v7 =	vimm.f32 $0.0e+00  }
0x47: {  	s13 =	simm.s32 $0x1;
	s14 =	simm.s32 $0x0;
	v4 =	vimm.f32 $0.0e+00;
	(erf) = vrcp.f32 v5;
	v5 =	vimm.f32 $0.0e+00  }
.LBB2_2:
0x48: {  	p0 =	sne.s32 s13, $0x3F  }
0x49: {  	v30 =	vsel vm1, $0x3F800000, v2;
	v31 =	vsel vm2, $0x3F800000, v2;
	v32 =	vsel vm3, $0x3F800000, v2;
	s14 =	sadd.s32 $0x10, s14;
	s16 =	smov.u32 s13;
	s13 =	sadd.s32 $0x1, s13  }
0x4a: {  	v33 =	vsel vm0, $0x3F800000, v2;
	v17 =	vadd.f32 v31, v17;
	v15 =	vadd.f32 v32, v15  }
0x4b: {  	v16 =	vadd.f32 v27, v16;
	v20 =	vadd.f32 v30, v20  }
0x4c: {  	s18 =	sshll.u32 s16, $0x7  }
0x4d: {  	s17 =	sand.u32 $0x70, s14;
	s18 =	sand.u32 $0x3FFFFC00, s18  }
0x4e: {  	s18 =	sor.u32 s17, s18;
	v27 =	vpop (erf)  }
0x4f: {  	[tilespmem:s15+$0x2000] =	vst v27;
	v29 =	vmul.f32 v27, v29;
	_ =	sdelay $0x1  }
0x50: {  	[tilespmem:s15+$0x2080] =	vst v29;
	v27 =	vpop (erf)  }
0x51: {  	v29 =	vld [tilespmem:s18+$0x100];
	v18 =	vmul.f32 v27, v18;
	v19 =	vmul.f32 v27, v19  }
0x52: {  	v21 =	vmul.f32 v27, v21;
	v22 =	vmul.f32 v27, v22;
	v30 =	vld [tilespmem:s18+$0x180]  }
0x53: {  	v31 =	vld [tilespmem:s18+$0x0];
	v12 =	vadd.f32 v18, v12;
	v18 =	vmul.f32 v27, v23;
	v23 =	vmul.f32 v27, v24  }
0x54: {  	v9 =	vadd.f32 v21, v9;
	v8 =	vadd.f32 v22, v8;
	v21 =	vmul.f32 v27, v25;
	v24 =	vld [tilespmem:s18+$0x80]  }
0x55: {  	v22 =	vld [tilespmem:s18+$0x300];
	v7 =	vadd.f32 v18, v7;
	v4 =	vadd.f32 v23, v4;
	v18 =	vmul.f32 v27, v26  }
0x56: {  	v13 =	vadd.f32 v19, v13;
	v5 =	vadd.f32 v21, v5;
	v23 =	vld [tilespmem:s18+$0x380]  }
0x57: {  	v19 =	vld [tilespmem:s18+$0x200];
	v3 =	vadd.f32 v18, v3  }
0x58: {  	v18 =	vld [tilespmem:s18+$0x280]  }
0x59: {  	v14 =	vadd.f32 v33, v14;
	v21 =	vmax.f32 v31, v24  }
0x5a: {  	v21 =	vmax.f32 v21, v29  }
0x5b: {  	v14 =	vadd.f32 v28, v14;
	v21 =	vmax.f32 v21, v30  }
0x5c: {  	v21 =	vmax.f32 v21, v19  }
0x5d: {  	v21 =	vmax.f32 v21, v18  }
0x5e: {  	v21 =	vmax.f32 v21, v22  }
0x5f: {  	v21 =	vmax.f32 v21, v23  }
0x60: {  	vm0 =	veq.f32 v22, v21;
	vm1 =	veq.f32 v30, v21;
	v25 =	vsub.f32 v30, v21  }
0x61: {  	vm2 =	vne.f32 v31, v21;
	v26 =	vsel vm0, $0x6, v0;
	vm0 =	veq.f32 v18, v21  }
0x62: {  	v27 =	vnsel vm2, $0xFF800000, v31;
	v26 =	vsel vm0, $0x5, v26;
	vm0 =	veq.f32 v19, v21  }
0x63: {  	s15 =	sshll.u32 s16, $0x5;
	v28 =	vsub.f32 v31, v21;
	v26 =	vsel vm0, $0x4, v26  }
0x64: {  	s15 =	sand.u32 $0xFFFFFF00, s15;
	v31 =	vsel vm2, $0x0, v1;
	vm0 =	veq.f32 v29, v21;
	v26 =	vsel vm1, $0x3, v26  }
0x65: {  	s15 =	sor.u32 s17, s15;
	v32 =	vsub.f32 v29, v21;
	v26 =	vsel vm0, $0x2, v26;
	vm0 =	veq.f32 v24, v21  }
0x66: {  	v33 =	vsub.f32 v24, v21;
	v28 =	vmul.f32 $1.442695020e+00, v28;
	v26 =	vsel vm0, $0x1, v26  }
0x67: {  	v32 =	vmul.f32 $1.442695020e+00, v32;
	v25 =	vmul.f32 $1.442695020e+00, v25;
	v26 =	vnsel vm2, $0x0, v26  }
0x68: {  	vm2 =	vmand vm2, vm0;
	vm0 =	veq.s32 v26, $0x2;
	vm1 =	veq.s32 v26, $0x3;
	[tilespmem:s15+$0x2800] =	vst v26  }
0x69: {  	v24 =	vsel vm2, $0xFF800000, v24;
	v34 =	vsel vm2, $0x3F800000, v2;
	v29 =	vsel vm0, $0xFF800000, v29  }
0x6a: {  	vm3 =	veq.s32 v26, $0x4;
	vm4 =	veq.s32 v26, $0x5;
	v35 =	vmax.f32 v27, v24  }
0x6b: {  	v36 =	vsel vm3, $0xFF800000, v19;
	v37 =	vsel vm4, $0xFF800000, v18;
	v35 =	vmax.f32 v35, v29  }
0x6c: {  	v33 =	vmul.f32 $1.442695020e+00, v33;
	vm2 =	veq.s32 v26, $0x6;
	v30 =	vsel vm1, $0xFF800000, v30  }
0x6d: {  	v19 =	vsub.f32 v19, v21;
	v35 =	vmax.f32 v35, v30;
	(erf) = vpow2.f32 v28  }
0x6e: {  	v28 =	vmax.f32 v35, v36;
	v35 =	vsub.f32 v22, v21;
	(erf) = vpow2.f32 v33  }
0x6f: {  	v19 =	vmul.f32 $1.442695020e+00, v19;
	v22 =	vsel vm2, $0xFF800000, v22;
	v28 =	vmax.f32 v28, v37  }
0x70: {  	v18 =	vsub.f32 v18, v21;
	v28 =	vmax.f32 v28, v22;
	(erf) = vpow2.f32 v32  }
0x71: {  	v16 =	vadd.f32 v31, v16;
	vm9 =	veq.s32 v26, $0x7;
	v26 =	vmax.f32 v28, v23  }
0x72: {  	v26 =	vsel vm9, v28, v26;
	v28 =	vmul.f32 $1.442695020e+00, v18;
	(erf) = vpow2.f32 v25  }
0x73: {  	vm5 =	veq.f32 v22, v26;
	vm6 =	veq.f32 v30, v26;
	v30 =	vsub.f32 v26, v21  }
0x74: {  	v22 =	vmul.f32 $1.442695020e+00, v35;
	v25 =	vsel vm5, $0x6, v0;
	(erf) = vpow2.f32 v19  }
0x75: {  	vm10 =	veq.f32 v36, v26;
	vm7 =	veq.f32 v29, v26;
	v29 =	vmul.f32 $1.442695020e+00, v30  }
0x76: {  	vm5 =	vne.f32 v27, v26;
	v27 =	vsub.f32 v23, v21;
	v18 =	vpop (erf);
	(erf) = vpow2.f32 v28  }
0x77: {  	vm8 =	veq.f32 v24, v26;
	v28 =	vsel vm4, $0x3F800000, v2;
	(erf) = vpow2.f32 v29;
	v19 =	vpop (erf)  }
0x78: {  	v23 =	vmul.f32 $1.442695020e+00, v27;
	v24 =	vadd.f32 v19, v18;
	(erf) = vpow2.f32 v22  }
0x79: {  	v6 =	vadd.f32 v34, v6;
	v30 =	vsel vm9, $0x3F800000, v2;
	v29 =	vsel vm3, $0x3F800000, v2;
	v21 =	vpop (erf)  }
0x7a: {  	v27 =	vsel vm1, $0x3F800000, v2;
	v24 =	vadd.f32 v24, v21;
	(erf) = vpow2.f32 v23  }
0x7b: {  	vm1 =	veq.f32 v37, v26;
	v26 =	vsel vm2, $0x3F800000, v2;
	v20 =	vadd.f32 v27, v20;
	v22 =	vpop (erf)  }
0x7c: {  	v32 =	vsel vm1, $0x5, v25;
	vm1 =	vmand vm5, vm8;
	v33 =	vadd.f32 v24, v22  }
0x7d: {  	v27 =	vsel vm5, $0x0, v1;
	v25 =	vsel vm10, $0x4, v32;
	v31 =	vsel vm1, $0x3F800000, v2;
	v23 =	vpop (erf)  }
0x7e: {  	v25 =	vsel vm6, $0x3, v25;
	v6 =	vadd.f32 v31, v6;
	v32 =	vadd.f32 v33, v23  }
0x7f: {  	v17 =	vadd.f32 v26, v17;
	v11 =	vadd.f32 v29, v11;
	v34 =	vsel vm7, $0x2, v25;
	v24 =	vpop (erf)  }
0x80: {  	v10 =	vadd.f32 v28, v10;
	v33 =	vsel vm8, $0x1, v34;
	v32 =	vadd.f32 v32, v24;
	v29 =	vpop (erf)  }
0x81: {  	v15 =	vadd.f32 v30, v15;
	v28 =	vnsel vm5, $0x0, v33;
	v31 =	vadd.f32 $1.000000000e+00, v29;
	v25 =	vpop (erf)  }
.Ltmp0:
0x82: {  	vm4 =	veq.s32 v28, $0x2;
	vm1 =	veq.s32 v28, $0x3;
	[tilespmem:s15+$0x2880] =	vst v28;
	v30 =	vadd.f32 v32, v25;
	(pc) =	sbr.rel @p0 .LBB2_2-.Ltmp0, $4  }
0x83: {  	vm2 =	veq.s32 v28, $0x4;
	vm3 =	veq.s32 v28, $0x5;
	(erf) = vrcp.f32 v31;
	v26 =	vpop (erf)  }
0x84: {  	v31 =	vsel vm2, $0x3F800000, v2;
	vm2 =	veq.s32 v28, $0x6;
	v30 =	vadd.f32 v30, v26  }
0x85: {  	v11 =	vadd.f32 v31, v11;
	v31 =	vsel vm3, $0x3F800000, v2;
	vm3 =	veq.s32 v28, $0x7  }
0x86: {  	v28 =	vsel vm4, $0x3F800000, v2;
	v10 =	vadd.f32 v31, v10;
	(erf) = vrcp.f32 v30  }
0x87: {  	_ =	sdelay $0x4  }
0x88: {  	v30 =	vpop (erf)  }
0x89: {  	v29 =	vmul.f32 v30, v29  }
0x8a: {  	v16 =	vadd.f32 v27, v16;
	[tilespmem:s15+$0x2000] =	vst v30  }
0x8b: {  	[tilespmem:s15+$0x2080] =	vst v29  }
0x8c: {  	[tilespmem:$0x3400] =	vst v16  }
0x8d: {  	v59 =	vsel vm2, $0x3F800000, v2;
	[tilespmem:$0x3480] =	vst v6  }
0x8e: {  	v62 =	vsel vm3, $0x3F800000, v2;
	v61 =	vadd.f32 v59, v17;
	v31 =	vpop (erf);
	[tilespmem:$0x3600] =	vst v11  }
0x8f: {  	v55 =	vsel vm1, $0x3F800000, v2;
	v63 =	vadd.f32 v62, v15;
	v18 =	vmul.f32 v31, v18;
	[tilespmem:$0x3680] =	vst v10  }
0x90: {  	v51 =	vmul.f32 v31, v19;
	v6 =	vadd.f32 v55, v20;
	[tilespmem:$0x3700] =	vst v61  }
0x91: {  	v21 =	vmul.f32 v31, v21;
	[tilespmem:$0x3780] =	vst v63;
	v12 =	vadd.f32 v18, v12  }
0x92: {  	v54 =	vmul.f32 v31, v22;
	v13 =	vadd.f32 v51, v13;
	[tilespmem:$0x3580] =	vst v6  }
0x93: {  	v56 =	vmul.f32 v31, v23;
	v9 =	vadd.f32 v21, v9;
	[tilespmem:$0x3000] =	vst v12  }
0x94: {  	v57 =	vmul.f32 v31, v24;
	v8 =	vadd.f32 v54, v8;
	[tilespmem:$0x3080] =	vst v13  }
0x95: {  	v58 =	vmul.f32 v31, v25;
	v7 =	vadd.f32 v56, v7;
	[tilespmem:$0x3100] =	vst v9  }
0x96: {  	v52 =	vsel vm0, $0x3F800000, v2;
	v60 =	vmul.f32 v31, v26;
	v4 =	vadd.f32 v57, v4;
	[tilespmem:$0x3180] =	vst v8  }
0x97: {  	v53 =	vadd.f32 v52, v14;
	v5 =	vadd.f32 v58, v5;
	[tilespmem:$0x3200] =	vst v7  }
0x98: {  	v3 =	vadd.f32 v60, v3;
	[tilespmem:$0x3280] =	vst v4  }
0x99: {  	v12 =	vadd.f32 v28, v53;
	[tilespmem:$0x3300] =	vst v5  }
0x9a: {  	[tilespmem:$0x3380] =	vst v3  }
0x9b: {  	[tilespmem:$0x3500] =	vst v12  }
0x9c: {  	[hbm4b:s4+s2] =	stream.linear.scatter [tilespmem:s9], [sflag:$0x1], $0x800, $0x38;
	[tilespmem:$0x3800] =	vst v63  }
0x9d: {  	_ =	swait.ge [sflag:s8], $0x800  }
0x9e: {  	[sflag:s8] =	ssyncset.done $0x0  }
0x9f: {  	[sflag:s8] =	ssyncadd.s32 $0xFFFFF800  }
0xa0: {  	[hbm4b:s5+s2] =	stream.linear.scatter [tilespmem:s10], [sflag:$0x1], $0x800, $0x38;
	[tilespmem:$0x3800] =	vst v63  }
0xa1: {  	s12 =	sadd.s32 $0x1, s12;
	_ =	swait.ge [sflag:s8], $0x800  }
0xa2: {  	p0 =	sne.s32 s12, s7;
	[sflag:s8] =	ssyncset.done $0x0  }
.Ltmp1:
0xa3: {  	[sflag:s8] =	ssyncadd.s32 $0xFFFFF800;
	(pc) =	sbr.rel @p0 .LBB2_1-.Ltmp1, $4  }
0xa4: {  	[hbm4b:s6+s2] =	stream.linear.scatter [tilespmem:s11], [sflag:$0x1], $0x800, $0x38;
	[tilespmem:$0x3800] =	vst v63  }
0xa5: {  	_ =	swait.ge [sflag:s8], $0x800  }
0xa6: {  	[sflag:s8] =	ssyncset.done $0x0  }
0xa7: {  	[sflag:s8] =	ssyncadd.s32 $0xFFFFF800  }
0xa8: {  	_ =	sfence.sel $0x180000  }
0xa9: {  	[bflag:$0x0] =	sbarrier.arrive $0xFFFF  }
0xaa: {  	p0 =	sne.s32 s1, $0x0;
	_ =	strace $0x90000047  }
0xab: {  	s0 =	sadd.s32 @!p0 $0x100000, s0;
	[bflag:$0x2] =	sbarrier.arrive $0xFFFF  }
0xac: {  	[sflag:s0] =	ssyncadd.tile.s32 @!p0 $0x1;
	_ =	shalt  }
.Lfunc_end2:
_tile_overlayer_lowered:
.L_overlay_start_2:
0xad: {  	(tag) =	ssettag $0x2  }
0xae: {  	s0 =	rddreg [dreg:$0x0];
	s2 =	stileid.u32  }
0xaf: {  	s1 =	rddreg [dreg:$0x1];
	p0 =	sne.s32 s2, $0x0  }
0xb0: {  	s3 =	rddreg [dreg:$0x2];
	[bflag:$0x3] =	sbarrier.arrive $0xFFFF;
	s2 =	simm.s32 @!p0 $0x1C01  }
0xb1: {  	[timem:s3], [sflag:s2] =	dma.local @!p0 [hbm:s0], s1  }
0xb2: {  	s0 =	simm.s32 @!p0 $0x1  }
0xb3: {  	_ =	swait.ge @!p0 [sflag:s0], s1  }
0xb4: {  	s1 =	ssub.s32 @!p0 $0x0, s1;
	[sflag:s0] =	ssyncset.done @!p0 $0x0  }
0xb5: {  	[sflag:s0] =	ssyncadd.s32 @!p0 s1  }
0xb6: {  	[bflag:$0x3] =	sbarrier.arrive $0xFFFF  }
0xb7: {  	_ =	shalt  }

</sc_bundles>
